<compile_context>
chip_gen: v7x
topology: tpu7x:2x2x1
jax: 0.10.2.dev20260603
libtpu: 0.0.44.dev20260713+nightly
codegen_flags: <defaults>
</compile_context>

<pallas_src>
import functools

import jax
import jax.numpy as jnp
from jax import lax
from jax.experimental import pallas as pl
from jax.experimental.pallas import tpu as pltpu
from jax.experimental.pallas import tpu_sc as plsc

N = 10000
E = 320000
D = 128
R = 5

NC = 2
NS = 16
NW = NC * NS
CH = 128
FAST_C = 0
CPW_F = 80
CPW_S = 80
CPWMAX = CPW_F
E_PAD = NS * (CPW_F + CPW_S) * CH
ACC_ROWS = 10112
ZROWS = ACC_ROWS // NS
TRASH = ACC_ROWS - 1


NBUF = 2


def _sc_agg_body(table, gidx, dstx, zeros, out, idxv, dstr, rows, acc, *sems):
    gsem = sems[0:NBUF]
    ssem = sems[NBUF:2 * NBUF]
    dsem = sems[2 * NBUF:3 * NBUF]
    c = lax.axis_index("c")
    s = lax.axis_index("s")
    wid = s * NC + c
    cpw = jnp.where(c == FAST_C, CPW_F, CPW_S)
    pltpu.sync_copy(gidx.at[wid], idxv)
    pltpu.sync_copy(zeros, acc.at[pl.ds(s * ZROWS, ZROWS)])
    plsc.subcore_barrier()

    for b in range(NBUF):
        pltpu.async_copy(dstx.at[wid, b], dstr.at[b], dsem[b])
        pltpu.async_copy(table.at[idxv.at[b]], rows.at[b], gsem[b])

    def group(g, carry):
        for b in range(NBUF):
            j = g * NBUF + b
            pltpu.make_async_copy(table.at[idxv.at[j]], rows.at[b], gsem[b]).wait()
            pltpu.make_async_copy(dstx.at[wid, j], dstr.at[b], dsem[b]).wait()
            pltpu.async_copy(rows.at[b], acc.at[dstr.at[b]], ssem[b], add=True)
            jn = j + NBUF

            @pl.when(jn < cpw)
            def _():
                pltpu.make_async_copy(
                    rows.at[b], acc.at[dstr.at[b]], ssem[b]
                ).wait()
                pltpu.async_copy(dstx.at[wid, jn], dstr.at[b], dsem[b])
                pltpu.async_copy(table.at[idxv.at[jn]], rows.at[b], gsem[b])

        return carry

    lax.fori_loop(0, cpw // NBUF, group, 0)
    for b in range(NBUF):
        pltpu.make_async_copy(rows.at[b], acc.at[dstr.at[b]], ssem[b]).wait()
    plsc.subcore_barrier()
    pltpu.sync_copy(
        acc.at[pl.ds(s * ZROWS, ZROWS)], out.at[c, pl.ds(s * ZROWS, ZROWS)]
    )


@functools.cache
def _make_sc_agg():
    return pl.kernel(
        _sc_agg_body,
        out_type=jax.ShapeDtypeStruct((NC, ACC_ROWS, D), jnp.float32),
        mesh=plsc.VectorSubcoreMesh(
            core_axis_name="c", subcore_axis_name="s", num_cores=NC, num_subcores=NS
        ),
        scratch_types=[
            pltpu.VMEM((CPWMAX, CH), jnp.int32),
            pltpu.VMEM((NBUF, CH), jnp.int32),
            pltpu.VMEM((NBUF, CH, D), jnp.float32),
            pltpu.VMEM_SHARED((ACC_ROWS, D), jnp.float32),
        ] + [pltpu.SemaphoreType.DMA] * (3 * NBUF),
    )


def _sc_agg(table, gidx, dstx, zeros):
    return _make_sc_agg()(table, gidx, dstx, zeros)


BN = 2000


def _proj_body(wc_ref, x_ref, b_ref, lw_ref, bias_ref, xw_ref, lp_ref):
    x_blk = x_ref[...]
    b0 = b_ref[0]
    b1 = b_ref[1]
    for r in range(R):
        w_r = wc_ref[r, 0] * b0 + wc_ref[r, 1] * b1
        xw_ref[r] = jnp.dot(x_blk, w_r, preferred_element_type=jnp.float32)
    lp_ref[...] = (
        jnp.dot(x_blk, lw_ref[...], preferred_element_type=jnp.float32)
        + bias_ref[...]
    )


def _proj(x, bases, w_comp, loop_w, bias):
    return pl.pallas_call(
        _proj_body,
        grid=(N // BN,),
        in_specs=[
            pl.BlockSpec(memory_space=pltpu.SMEM),
            pl.BlockSpec((BN, D), lambda i: (i, 0)),
            pl.BlockSpec((2, D, D), lambda i: (0, 0, 0)),
            pl.BlockSpec((D, D), lambda i: (0, 0)),
            pl.BlockSpec((1, D), lambda i: (0, 0)),
        ],
        out_specs=[
            pl.BlockSpec((R, BN, D), lambda i: (0, i, 0)),
            pl.BlockSpec((BN, D), lambda i: (i, 0)),
        ],
        out_shape=[
            jax.ShapeDtypeStruct((R, N, D), jnp.float32),
            jax.ShapeDtypeStruct((N, D), jnp.float32),
        ],
    )(w_comp, x, bases, loop_w, bias.reshape(1, D))


def _proj_fused_body(wc_ref, p_ref, lp_ref, b_ref, lw_ref, bias_ref, xw_ref, lp2_ref):
    h = jnp.maximum(p_ref[0] + p_ref[1] + lp_ref[...], 0.0)
    b0 = b_ref[0]
    b1 = b_ref[1]
    for r in range(R):
        w_r = wc_ref[r, 0] * b0 + wc_ref[r, 1] * b1
        xw_ref[r] = jnp.dot(h, w_r, preferred_element_type=jnp.float32)
    lp2_ref[...] = (
        jnp.dot(h, lw_ref[...], preferred_element_type=jnp.float32)
        + bias_ref[...]
    )


def _proj_fused(part, lp, bases, w_comp, loop_w, bias):
    return pl.pallas_call(
        _proj_fused_body,
        grid=(N // BN,),
        in_specs=[
            pl.BlockSpec(memory_space=pltpu.SMEM),
            pl.BlockSpec((NC, BN, D), lambda i: (0, i, 0)),
            pl.BlockSpec((BN, D), lambda i: (i, 0)),
            pl.BlockSpec((2, D, D), lambda i: (0, 0, 0)),
            pl.BlockSpec((D, D), lambda i: (0, 0)),
            pl.BlockSpec((1, D), lambda i: (0, 0)),
        ],
        out_specs=[
            pl.BlockSpec((R, BN, D), lambda i: (0, i, 0)),
            pl.BlockSpec((BN, D), lambda i: (i, 0)),
        ],
        out_shape=[
            jax.ShapeDtypeStruct((R, N, D), jnp.float32),
            jax.ShapeDtypeStruct((N, D), jnp.float32),
        ],
    )(w_comp, part, lp, bases, loop_w, bias.reshape(1, D))


def _final_body(x_ref, p_ref, lp_ref, h2_ref, cat_ref):
    h2 = jnp.maximum(p_ref[0] + p_ref[1] + lp_ref[...], 0.0)
    h2_ref[...] = h2
    cat_ref[...] = jnp.concatenate([x_ref[...], h2], axis=1)


def _final(x, part, lp):
    return pl.pallas_call(
        _final_body,
        grid=(N // BN,),
        in_specs=[
            pl.BlockSpec((BN, D), lambda i: (i, 0)),
            pl.BlockSpec((NC, BN, D), lambda i: (0, i, 0)),
            pl.BlockSpec((BN, D), lambda i: (i, 0)),
        ],
        out_specs=[
            pl.BlockSpec((BN, D), lambda i: (i, 0)),
            pl.BlockSpec((BN, 2 * D), lambda i: (i, 0)),
        ],
        out_shape=[
            jax.ShapeDtypeStruct((N, D), jnp.float32),
            jax.ShapeDtypeStruct((N, 2 * D), jnp.float32),
        ],
    )(x, part, lp)


def _edge_layout(flat, fill):
    ef = NS * CPW_F * CH
    fast = flat[:ef].reshape(NS, CPW_F, CH)
    slow = flat[ef:].reshape(NS, CPW_S, CH)
    if CPW_F != CPW_S:
        slow = jnp.concatenate(
            [slow, jnp.full((NS, CPW_F - CPW_S, CH), fill, jnp.int32)], axis=1
        )
    per_c = [fast, slow] if FAST_C == 0 else [slow, fast]
    return jnp.stack(per_c, axis=1).reshape(NW, CPWMAX, CH)


def kernel(x, edge_index, etype, bases1, w_comp1, loop_w1, bias1,
           bases2, w_comp2, loop_w2, bias2):
    src = edge_index[0]
    dst = edge_index[1]
    pad = E_PAD - E
    pad_g = jnp.arange(pad, dtype=jnp.int32) % (R * N)
    pad_d = N + jnp.arange(pad, dtype=jnp.int32) % (ACC_ROWS - N)
    gidx = _edge_layout(jnp.concatenate([etype * N + src, pad_g]), 0)
    dstx = _edge_layout(jnp.concatenate([dst, pad_d]), TRASH)
    zeros = jnp.zeros((ZROWS, D), jnp.float32)

    xw1, lp1 = _proj(x, bases1, w_comp1, loop_w1, bias1)
    part1 = _sc_agg(xw1.reshape(R * N, D), gidx, dstx, zeros)
    xw2, lp2 = _proj_fused(part1, lp1, bases2, w_comp2, loop_w2, bias2)
    part2 = _sc_agg(xw2.reshape(R * N, D), gidx, dstx, zeros)
    h2, cat = _final(x, part2, lp2)
    return (x, h2, cat)

# --- scband reference (transcript-rebuilt; emitter-appended) ---
"""Pipeline reference for scband-relational-gcn-46626164965721 (READ-ONLY COPY).

The authoritative reference and input builder live on the scoring server;
editing this copy changes nothing except your own understanding.
"""

import jax, jax.numpy as jnp
import numpy as np

N = 10000
E = 320000
D_IN = 128
D_H = 128
D_OUT = 128
R = 5
NB = 2


def setup_inputs(seed: int = 0) -> dict:
    key = jax.random.key(seed)
    ks = jax.random.split(key, 12)
    x = jax.random.normal(ks[0], (N, D_IN), dtype=jnp.float32)
    edge_index = jax.random.randint(ks[1], (2, E), 0, N, dtype=jnp.int32)
    etype = jax.random.randint(ks[2], (E,), 0, R, dtype=jnp.int32)
    # RelGraphConv layer 1 (basis regularizer, num_bases=2, self_loop=True, bias=True)
    bases1 = jax.random.normal(ks[3], (NB, D_IN, D_H), dtype=jnp.float32) * (1.0 / np.sqrt(D_IN))
    w_comp1 = jax.random.normal(ks[4], (R, NB), dtype=jnp.float32) * (1.0 / np.sqrt(NB))
    loop_w1 = jax.random.normal(ks[5], (D_IN, D_H), dtype=jnp.float32) * (1.0 / np.sqrt(D_IN))
    bias1 = jnp.zeros((D_H,), dtype=jnp.float32)
    # RelGraphConv layer 2
    bases2 = jax.random.normal(ks[6], (NB, D_H, D_OUT), dtype=jnp.float32) * (1.0 / np.sqrt(D_H))
    w_comp2 = jax.random.normal(ks[7], (R, NB), dtype=jnp.float32) * (1.0 / np.sqrt(NB))
    loop_w2 = jax.random.normal(ks[8], (D_H, D_OUT), dtype=jnp.float32) * (1.0 / np.sqrt(D_H))
    bias2 = jnp.zeros((D_OUT,), dtype=jnp.float32)
    return {
        "x": x, "edge_index": edge_index, "etype": etype,
        "bases1": bases1, "w_comp1": w_comp1, "loop_w1": loop_w1, "bias1": bias1,
        "bases2": bases2, "w_comp2": w_comp2, "loop_w2": loop_w2, "bias2": bias2,
    }


def _rel_graph_conv(x, edge_index, etype, bases, w_comp, loop_w, bias):
    # basis decomposition: W_r = sum_b w_comp[r,b] * bases[b]
    W = jnp.einsum('rb,bio->rio', w_comp, bases)          # [R, in, out]
    # precompute x @ W_r for every relation (low-memory RGCN trick)
    xW = jnp.einsum('ni,rio->rno', x, W)                   # [R, N, out]
    src = edge_index[0]
    dst = edge_index[1]
    msg = xW[etype, src]                                   # gather [E, out]
    agg = jax.ops.segment_sum(msg, dst, num_segments=x.shape[0])
    return agg + x @ loop_w + bias


def reference(x, edge_index, etype, bases1, w_comp1, loop_w1, bias1,
              bases2, w_comp2, loop_w2, bias2):
    h1 = jax.nn.relu(_rel_graph_conv(x, edge_index, etype, bases1, w_comp1, loop_w1, bias1))
    h2 = jax.nn.relu(_rel_graph_conv(h1, edge_index, etype, bases2, w_comp2, loop_w2, bias2))
    out = jnp.concatenate([x, h2], axis=-1)
    return (x, h2, out)

if __name__ == "__main__":
    import jax
    _d = setup_inputs()
    print(jax.jit(kernel)(*tuple(_d.values())))

</pallas_src>

<mosaic_0001>
#map = affine_map<(d0, d1) -> (0, 0)>
#map1 = affine_map<(d0, d1) -> (0, 0, 0)>
module attributes {stable_mosaic.version = 14 : i64} {
  func.func @_sc_agg_body(%arg0: i32, %arg1: i32, %arg2: memref<50000x128xf32, #tpu.memory_space<hbm>>, %arg3: memref<32x80x128xi32, #tpu.memory_space<hbm>>, %arg4: memref<32x80x128xi32, #tpu.memory_space<hbm>>, %arg5: memref<632x128xf32, #tpu.memory_space<hbm>>, %arg6: memref<2x10112x128xf32, #tpu.memory_space<hbm>>, %arg7: memref<80x128xi32, #tpu.memory_space<vmem>>, %arg8: memref<2x128xi32, #tpu.memory_space<vmem>>, %arg9: memref<2x128x128xf32, #tpu.memory_space<vmem>>, %arg10: memref<10112x128xf32, #tpu.memory_space<vmem_shared>>, %arg11: memref<!tpu.dma_semaphore, #tpu.memory_space<semaphore_mem>>, %arg12: memref<!tpu.dma_semaphore, #tpu.memory_space<semaphore_mem>>, %arg13: memref<!tpu.dma_semaphore, #tpu.memory_space<semaphore_mem>>, %arg14: memref<!tpu.dma_semaphore, #tpu.memory_space<semaphore_mem>>, %arg15: memref<!tpu.dma_semaphore, #tpu.memory_space<semaphore_mem>>, %arg16: memref<!tpu.dma_semaphore, #tpu.memory_space<semaphore_mem>>) attributes {dimension_semantics = [#tpu.dimension_semantics<core_parallel>, #tpu.dimension_semantics<subcore_parallel>], iteration_bounds = array<i64: 2, 16>, scalar_prefetch = 0 : i64, scratch_operands = 10 : i64, tpu.core_type = #tpu.core_type<sc_vector_subcore>, window_params = [{transform_indices = #map}, {transform_indices = #map1}, {transform_indices = #map1}, {transform_indices = #map}, {transform_indices = #map1}]} {
    %mul3A = arith.constant 2 : i32
    %mul3A_0 = arith.muli %arg1, %mul3A : i32
    %add3A = arith.addi %mul3A_0, %arg0 : i32
    %eq3A = arith.constant 0 : i32
    %eq3A_1 = arith.cmpi eq, %arg0, %eq3A : i32
    %jit3A = arith.constant 80 : i32
    %jit3A_2 = arith.constant 80 : i32
    %select_n3A = arith.select %eq3A_1, %jit3A, %jit3A_2 : i32
    "tpu.region"() ({
      %run_scoped3A = tpu.sem_alloc : memref<!tpu.dma_semaphore, #tpu.memory_space<semaphore_mem>>
      %dma_start3A_111 = arith.constant 0 : i32
      %dma_start3A_112 = arith.constant 0 : i32
      %dma_start3A_113 = tpu.memref_slice %arg3[%add3A, %dma_start3A_111, %dma_start3A_112] : memref<32x80x128xi32, #tpu.memory_space<hbm>> -> memref<1x80x128xi32, #tpu.memory_space<hbm>>
      %dma_start3A_114 = tpu.memref_squeeze %dma_start3A_113 : memref<1x80x128xi32, #tpu.memory_space<hbm>> -> memref<80x128xi32, #tpu.memory_space<hbm>>
      %dma_start3A_115 = arith.constant 0 : i32
      %dma_start3A_116 = arith.constant 0 : i32
      %dma_start3A_117 = tpu.memref_slice %arg3[%add3A, %dma_start3A_115, %dma_start3A_116] : memref<32x80x128xi32, #tpu.memory_space<hbm>> -> memref<1x80x128xi32, #tpu.memory_space<hbm>>
      %dma_start3A_118 = tpu.memref_squeeze %dma_start3A_117 : memref<1x80x128xi32, #tpu.memory_space<hbm>> -> memref<80x128xi32, #tpu.memory_space<hbm>>
      tpu.enqueue_dma source(%dma_start3A_118 : memref<80x128xi32, #tpu.memory_space<hbm>>) target(%arg7 : memref<80x128xi32, #tpu.memory_space<vmem>>) target_semaphore(%run_scoped3A : memref<!tpu.dma_semaphore, #tpu.memory_space<semaphore_mem>>)
      %dma_wait3A_119 = arith.constant 0 : i32
      %dma_wait3A_120 = arith.constant 0 : i32
      %dma_wait3A_121 = tpu.memref_slice %arg3[%add3A, %dma_wait3A_119, %dma_wait3A_120] : memref<32x80x128xi32, #tpu.memory_space<hbm>> -> memref<1x80x128xi32, #tpu.memory_space<hbm>>
      %dma_wait3A_122 = tpu.memref_squeeze %dma_wait3A_121 : memref<1x80x128xi32, #tpu.memory_space<hbm>> -> memref<80x128xi32, #tpu.memory_space<hbm>>
      %dma_wait3A_123 = arith.constant 0 : i32
      %dma_wait3A_124 = arith.constant 0 : i32
      %dma_wait3A_125 = tpu.memref_slice %arg3[%add3A, %dma_wait3A_123, %dma_wait3A_124] : memref<32x80x128xi32, #tpu.memory_space<hbm>> -> memref<1x80x128xi32, #tpu.memory_space<hbm>>
      %dma_wait3A_126 = tpu.memref_squeeze %dma_wait3A_125 : memref<1x80x128xi32, #tpu.memory_space<hbm>> -> memref<80x128xi32, #tpu.memory_space<hbm>>
      tpu.wait_dma2 semaphore(%run_scoped3A : memref<!tpu.dma_semaphore, #tpu.memory_space<semaphore_mem>>) src(%dma_wait3A_126 : memref<80x128xi32, #tpu.memory_space<hbm>>) dst(%arg7 : memref<80x128xi32, #tpu.memory_space<vmem>>)
      tpu.yield
    }) : () -> ()
    %mul3A_3 = arith.constant 632 : i32
    %mul3A_4 = arith.muli %arg1, %mul3A_3 : i32
    "tpu.region"() ({
      %run_scoped3A = tpu.sem_alloc : memref<!tpu.dma_semaphore, #tpu.memory_space<semaphore_mem>>
      %dma_start3A_111 = arith.constant 0 : i32
      %dma_start3A_112 = tpu.memref_slice %arg10[%mul3A_4, %dma_start3A_111] : memref<10112x128xf32, #tpu.memory_space<vmem_shared>> -> memref<632x128xf32, #tpu.memory_space<vmem_shared>>
      tpu.enqueue_dma source(%arg5 : memref<632x128xf32, #tpu.memory_space<hbm>>) target(%dma_start3A_112 : memref<632x128xf32, #tpu.memory_space<vmem_shared>>) target_semaphore(%run_scoped3A : memref<!tpu.dma_semaphore, #tpu.memory_space<semaphore_mem>>)
      %dma_wait3A_113 = arith.constant 0 : i32
      %dma_wait3A_114 = tpu.memref_slice %arg10[%mul3A_4, %dma_wait3A_113] : memref<10112x128xf32, #tpu.memory_space<vmem_shared>> -> memref<632x128xf32, #tpu.memory_space<vmem_shared>>
      tpu.wait_dma2 semaphore(%run_scoped3A : memref<!tpu.dma_semaphore, #tpu.memory_space<semaphore_mem>>) src(%arg5 : memref<632x128xf32, #tpu.memory_space<hbm>>) dst(%dma_wait3A_114 : memref<632x128xf32, #tpu.memory_space<vmem_shared>>)
      tpu.yield
    }) : () -> ()
    %barrier3A = arith.constant 0 : index
    tpu.barrier barrier_id(%barrier3A)
    %dma_start3A = arith.constant 0 : i32
    %dma_start3A_5 = arith.constant 0 : i32
    %dma_start3A_6 = arith.constant 0 : i32
    %dma_start3A_7 = tpu.memref_slice %arg8[%dma_start3A_5, %dma_start3A_6] : memref<2x128xi32, #tpu.memory_space<vmem>> -> memref<1x128xi32, #tpu.memory_space<vmem>>
    %dma_start3A_8 = tpu.memref_squeeze %dma_start3A_7 : memref<1x128xi32, #tpu.memory_space<vmem>> -> memref<128xi32, #tpu.memory_space<vmem>>
    %dma_start3A_9 = arith.constant 0 : i32
    %dma_start3A_10 = tpu.memref_slice %arg4[%add3A, %dma_start3A, %dma_start3A_9] : memref<32x80x128xi32, #tpu.memory_space<hbm>> -> memref<1x1x128xi32, #tpu.memory_space<hbm>>
    %dma_start3A_11 = tpu.memref_squeeze %dma_start3A_10 : memref<1x1x128xi32, #tpu.memory_space<hbm>> -> memref<128xi32, #tpu.memory_space<hbm>>
    %dma_start3A_12 = arith.constant 0 : i32
    %dma_start3A_13 = tpu.memref_slice %arg8[%dma_start3A_5, %dma_start3A_12] : memref<2x128xi32, #tpu.memory_space<vmem>> -> memref<1x128xi32, #tpu.memory_space<vmem>>
    %dma_start3A_14 = tpu.memref_squeeze %dma_start3A_13 : memref<1x128xi32, #tpu.memory_space<vmem>> -> memref<128xi32, #tpu.memory_space<vmem>>
    %dma_start3A_15 = arith.constant 0 : i32
    %dma_start3A_16 = tpu.memref_slice %arg4[%add3A, %dma_start3A, %dma_start3A_15] : memref<32x80x128xi32, #tpu.memory_space<hbm>> -> memref<1x1x128xi32, #tpu.memory_space<hbm>>
    %dma_start3A_17 = tpu.memref_squeeze %dma_start3A_16 : memref<1x1x128xi32, #tpu.memory_space<hbm>> -> memref<128xi32, #tpu.memory_space<hbm>>
    tpu.enqueue_dma source(%dma_start3A_17 : memref<128xi32, #tpu.memory_space<hbm>>) target(%dma_start3A_14 : memref<128xi32, #tpu.memory_space<vmem>>) target_semaphore(%arg15 : memref<!tpu.dma_semaphore, #tpu.memory_space<semaphore_mem>>)
    %dma_start3A_18 = arith.constant 0 : i32
    %dma_start3A_19 = arith.constant 0 : i32
    %dma_start3A_20 = arith.constant 0 : i32
    %dma_start3A_21 = arith.constant 0 : i32
    %dma_start3A_22 = tpu.memref_slice %arg9[%dma_start3A_19, %dma_start3A_20, %dma_start3A_21] : memref<2x128x128xf32, #tpu.memory_space<vmem>> -> memref<1x128x128xf32, #tpu.memory_space<vmem>>
    %dma_start3A_23 = tpu.memref_squeeze %dma_start3A_22 : memref<1x128x128xf32, #tpu.memory_space<vmem>> -> memref<128x128xf32, #tpu.memory_space<vmem>>
    %dma_start3A_24 = arith.constant 0 : i32
    %dma_start3A_25 = tpu.memref_slice %arg7[%dma_start3A_18, %dma_start3A_24] : memref<80x128xi32, #tpu.memory_space<vmem>> -> memref<1x128xi32, #tpu.memory_space<vmem>>
    %dma_start3A_26 = tpu.memref_squeeze %dma_start3A_25 : memref<1x128xi32, #tpu.memory_space<vmem>> -> memref<128xi32, #tpu.memory_space<vmem>>
    %dma_start3A_27 = arith.constant 0 : i32
    %dma_start3A_28 = arith.constant 0 : i32
    %dma_start3A_29 = tpu.memref_slice %arg2[%dma_start3A_27, %dma_start3A_28] : memref<50000x128xf32, #tpu.memory_space<hbm>> -> memref<50000x128xf32, #tpu.memory_space<hbm>>
    tpu.enqueue_indirect_dma source(%dma_start3A_29 : memref<50000x128xf32, #tpu.memory_space<hbm>>) target(%dma_start3A_23 : memref<128x128xf32, #tpu.memory_space<vmem>>) offsets(%dma_start3A_26 : memref<128xi32, #tpu.memory_space<vmem>>) semaphore(%arg11 : memref<!tpu.dma_semaphore, #tpu.memory_space<semaphore_mem>>)
    %dma_start3A_30 = arith.constant 1 : i32
    %dma_start3A_31 = arith.constant 1 : i32
    %dma_start3A_32 = arith.constant 0 : i32
    %dma_start3A_33 = tpu.memref_slice %arg8[%dma_start3A_31, %dma_start3A_32] : memref<2x128xi32, #tpu.memory_space<vmem>> -> memref<1x128xi32, #tpu.memory_space<vmem>>
    %dma_start3A_34 = tpu.memref_squeeze %dma_start3A_33 : memref<1x128xi32, #tpu.memory_space<vmem>> -> memref<128xi32, #tpu.memory_space<vmem>>
    %dma_start3A_35 = arith.constant 0 : i32
    %dma_start3A_36 = tpu.memref_slice %arg4[%add3A, %dma_start3A_30, %dma_start3A_35] : memref<32x80x128xi32, #tpu.memory_space<hbm>> -> memref<1x1x128xi32, #tpu.memory_space<hbm>>
    %dma_start3A_37 = tpu.memref_squeeze %dma_start3A_36 : memref<1x1x128xi32, #tpu.memory_space<hbm>> -> memref<128xi32, #tpu.memory_space<hbm>>
    %dma_start3A_38 = arith.constant 0 : i32
    %dma_start3A_39 = tpu.memref_slice %arg8[%dma_start3A_31, %dma_start3A_38] : memref<2x128xi32, #tpu.memory_space<vmem>> -> memref<1x128xi32, #tpu.memory_space<vmem>>
    %dma_start3A_40 = tpu.memref_squeeze %dma_start3A_39 : memref<1x128xi32, #tpu.memory_space<vmem>> -> memref<128xi32, #tpu.memory_space<vmem>>
    %dma_start3A_41 = arith.constant 0 : i32
    %dma_start3A_42 = tpu.memref_slice %arg4[%add3A, %dma_start3A_30, %dma_start3A_41] : memref<32x80x128xi32, #tpu.memory_space<hbm>> -> memref<1x1x128xi32, #tpu.memory_space<hbm>>
    %dma_start3A_43 = tpu.memref_squeeze %dma_start3A_42 : memref<1x1x128xi32, #tpu.memory_space<hbm>> -> memref<128xi32, #tpu.memory_space<hbm>>
    tpu.enqueue_dma source(%dma_start3A_43 : memref<128xi32, #tpu.memory_space<hbm>>) target(%dma_start3A_40 : memref<128xi32, #tpu.memory_space<vmem>>) target_semaphore(%arg16 : memref<!tpu.dma_semaphore, #tpu.memory_space<semaphore_mem>>)
    %dma_start3A_44 = arith.constant 1 : i32
    %dma_start3A_45 = arith.constant 1 : i32
    %dma_start3A_46 = arith.constant 0 : i32
    %dma_start3A_47 = arith.constant 0 : i32
    %dma_start3A_48 = tpu.memref_slice %arg9[%dma_start3A_45, %dma_start3A_46, %dma_start3A_47] : memref<2x128x128xf32, #tpu.memory_space<vmem>> -> memref<1x128x128xf32, #tpu.memory_space<vmem>>
    %dma_start3A_49 = tpu.memref_squeeze %dma_start3A_48 : memref<1x128x128xf32, #tpu.memory_space<vmem>> -> memref<128x128xf32, #tpu.memory_space<vmem>>
    %dma_start3A_50 = arith.constant 0 : i32
    %dma_start3A_51 = tpu.memref_slice %arg7[%dma_start3A_44, %dma_start3A_50] : memref<80x128xi32, #tpu.memory_space<vmem>> -> memref<1x128xi32, #tpu.memory_space<vmem>>
    %dma_start3A_52 = tpu.memref_squeeze %dma_start3A_51 : memref<1x128xi32, #tpu.memory_space<vmem>> -> memref<128xi32, #tpu.memory_space<vmem>>
    %dma_start3A_53 = arith.constant 0 : i32
    %dma_start3A_54 = arith.constant 0 : i32
    %dma_start3A_55 = tpu.memref_slice %arg2[%dma_start3A_53, %dma_start3A_54] : memref<50000x128xf32, #tpu.memory_space<hbm>> -> memref<50000x128xf32, #tpu.memory_space<hbm>>
    tpu.enqueue_indirect_dma source(%dma_start3A_55 : memref<50000x128xf32, #tpu.memory_space<hbm>>) target(%dma_start3A_49 : memref<128x128xf32, #tpu.memory_space<vmem>>) offsets(%dma_start3A_52 : memref<128xi32, #tpu.memory_space<vmem>>) semaphore(%arg12 : memref<!tpu.dma_semaphore, #tpu.memory_space<semaphore_mem>>)
    %jit3A_56 = arith.constant 2 : i32
    %div3A = arith.divsi %select_n3A, %jit3A_56 : i32
    %sign3A = arith.constant 0 : i32
    %sign3A_57 = arith.cmpi sgt, %select_n3A, %sign3A : i32
    %sign3A_58 = arith.extui %sign3A_57 : i1 to i32
    %sign3A_59 = arith.constant 0 : i32
    %sign3A_60 = arith.cmpi slt, %select_n3A, %sign3A_59 : i32
    %sign3A_61 = arith.extui %sign3A_60 : i1 to i32
    %sign3A_62 = arith.subi %sign3A_58, %sign3A_61 : i32
    %sign3A_63 = arith.constant 0 : i32
    %sign3A_64 = arith.cmpi sgt, %jit3A_56, %sign3A_63 : i32
    %sign3A_65 = arith.extui %sign3A_64 : i1 to i32
    %sign3A_66 = arith.constant 0 : i32
    %sign3A_67 = arith.cmpi slt, %jit3A_56, %sign3A_66 : i32
    %sign3A_68 = arith.extui %sign3A_67 : i1 to i32
    %sign3A_69 = arith.subi %sign3A_65, %sign3A_68 : i32
    %ne3A = arith.cmpi ne, %sign3A_62, %sign3A_69 : i32
    %rem3A = arith.remsi %select_n3A, %jit3A_56 : i32
    %ne3A_70 = arith.constant 0 : i32
    %ne3A_71 = arith.cmpi ne, %rem3A, %ne3A_70 : i32
    %and3A = arith.andi %ne3A, %ne3A_71 : i1
    %sub3A = arith.constant 1 : i32
    %sub3A_72 = arith.subi %div3A, %sub3A : i32
    %select_n3A_73 = arith.select %and3A, %sub3A_72, %div3A : i32
    %while3A = arith.constant 0 : i32
    %while3A_74 = arith.constant 0 : i32
    %while3A_75 = arith.subi %select_n3A_73, %while3A_74 : i32
    %while3A_76 = arith.addi %while3A_74, %while3A_75 : i32
    %while3A_77 = arith.constant 1 : i32
    %while3A_78 = arith.divsi %while3A_75, %while3A_77 : i32
    %while3A_79 = arith.muli %while3A_78, %while3A_77 : i32
    %while3A_80 = arith.addi %while3A_74, %while3A_79 : i32
    %while3A_81 = arith.constant 1 : i32
    scf.for %while3A_111 = %while3A_74 to %while3A_80 step %while3A_81  : i32 {
      %mul3A_112 = arith.constant 2 : i32
      %mul3A_113 = arith.muli %while3A_111, %mul3A_112 : i32
      %add3A_114 = arith.constant 0 : i32
      %add3A_115 = arith.addi %mul3A_113, %add3A_114 : i32
      %dma_wait3A_116 = arith.constant 0 : i32
      %dma_wait3A_117 = arith.constant 0 : i32
      %dma_wait3A_118 = arith.constant 0 : i32
      %dma_wait3A_119 = tpu.memref_slice %arg9[%dma_wait3A_116, %dma_wait3A_117, %dma_wait3A_118] : memref<2x128x128xf32, #tpu.memory_space<vmem>> -> memref<1x128x128xf32, #tpu.memory_space<vmem>>
      %dma_wait3A_120 = tpu.memref_squeeze %dma_wait3A_119 : memref<1x128x128xf32, #tpu.memory_space<vmem>> -> memref<128x128xf32, #tpu.memory_space<vmem>>
      %dma_wait3A_121 = arith.constant 0 : i32
      %dma_wait3A_122 = tpu.memref_slice %arg7[%add3A_115, %dma_wait3A_121] : memref<80x128xi32, #tpu.memory_space<vmem>> -> memref<1x128xi32, #tpu.memory_space<vmem>>
      %dma_wait3A_123 = tpu.memref_squeeze %dma_wait3A_122 : memref<1x128xi32, #tpu.memory_space<vmem>> -> memref<128xi32, #tpu.memory_space<vmem>>
      %dma_wait3A_124 = arith.constant 0 : i32
      %dma_wait3A_125 = arith.constant 0 : i32
      %dma_wait3A_126 = tpu.memref_slice %arg2[%dma_wait3A_124, %dma_wait3A_125] : memref<50000x128xf32, #tpu.memory_space<hbm>> -> memref<50000x128xf32, #tpu.memory_space<hbm>>
      tpu.wait_indirect_dma semaphore(%arg11 : memref<!tpu.dma_semaphore, #tpu.memory_space<semaphore_mem>>) src(%dma_wait3A_126 : memref<50000x128xf32, #tpu.memory_space<hbm>>) dst(%dma_wait3A_120 : memref<128x128xf32, #tpu.memory_space<vmem>>)
      %dma_wait3A_127 = arith.constant 0 : i32
      %dma_wait3A_128 = arith.constant 0 : i32
      %dma_wait3A_129 = tpu.memref_slice %arg8[%dma_wait3A_127, %dma_wait3A_128] : memref<2x128xi32, #tpu.memory_space<vmem>> -> memref<1x128xi32, #tpu.memory_space<vmem>>
      %dma_wait3A_130 = tpu.memref_squeeze %dma_wait3A_129 : memref<1x128xi32, #tpu.memory_space<vmem>> -> memref<128xi32, #tpu.memory_space<vmem>>
      %dma_wait3A_131 = arith.constant 0 : i32
      %dma_wait3A_132 = tpu.memref_slice %arg4[%add3A, %add3A_115, %dma_wait3A_131] : memref<32x80x128xi32, #tpu.memory_space<hbm>> -> memref<1x1x128xi32, #tpu.memory_space<hbm>>
      %dma_wait3A_133 = tpu.memref_squeeze %dma_wait3A_132 : memref<1x1x128xi32, #tpu.memory_space<hbm>> -> memref<128xi32, #tpu.memory_space<hbm>>
      %dma_wait3A_134 = arith.constant 0 : i32
      %dma_wait3A_135 = tpu.memref_slice %arg8[%dma_wait3A_127, %dma_wait3A_134] : memref<2x128xi32, #tpu.memory_space<vmem>> -> memref<1x128xi32, #tpu.memory_space<vmem>>
      %dma_wait3A_136 = tpu.memref_squeeze %dma_wait3A_135 : memref<1x128xi32, #tpu.memory_space<vmem>> -> memref<128xi32, #tpu.memory_space<vmem>>
      %dma_wait3A_137 = arith.constant 0 : i32
      %dma_wait3A_138 = tpu.memref_slice %arg4[%add3A, %add3A_115, %dma_wait3A_137] : memref<32x80x128xi32, #tpu.memory_space<hbm>> -> memref<1x1x128xi32, #tpu.memory_space<hbm>>
      %dma_wait3A_139 = tpu.memref_squeeze %dma_wait3A_138 : memref<1x1x128xi32, #tpu.memory_space<hbm>> -> memref<128xi32, #tpu.memory_space<hbm>>
      tpu.wait_dma2 semaphore(%arg15 : memref<!tpu.dma_semaphore, #tpu.memory_space<semaphore_mem>>) src(%dma_wait3A_139 : memref<128xi32, #tpu.memory_space<hbm>>) dst(%dma_wait3A_136 : memref<128xi32, #tpu.memory_space<vmem>>)
      %dma_start3A_140 = arith.constant 0 : i32
      %dma_start3A_141 = arith.constant 0 : i32
      %dma_start3A_142 = arith.constant 0 : i32
      %dma_start3A_143 = arith.constant 0 : i32
      %dma_start3A_144 = tpu.memref_slice %arg9[%dma_start3A_140, %dma_start3A_142, %dma_start3A_143] : memref<2x128x128xf32, #tpu.memory_space<vmem>> -> memref<1x128x128xf32, #tpu.memory_space<vmem>>
      %dma_start3A_145 = tpu.memref_squeeze %dma_start3A_144 : memref<1x128x128xf32, #tpu.memory_space<vmem>> -> memref<128x128xf32, #tpu.memory_space<vmem>>
      %dma_start3A_146 = arith.constant 0 : i32
      %dma_start3A_147 = tpu.memref_slice %arg8[%dma_start3A_141, %dma_start3A_146] : memref<2x128xi32, #tpu.memory_space<vmem>> -> memref<1x128xi32, #tpu.memory_space<vmem>>
      %dma_start3A_148 = tpu.memref_squeeze %dma_start3A_147 : memref<1x128xi32, #tpu.memory_space<vmem>> -> memref<128xi32, #tpu.memory_space<vmem>>
      %dma_start3A_149 = arith.constant 0 : i32
      %dma_start3A_150 = arith.constant 0 : i32
      %dma_start3A_151 = tpu.memref_slice %arg10[%dma_start3A_149, %dma_start3A_150] : memref<10112x128xf32, #tpu.memory_space<vmem_shared>> -> memref<10112x128xf32, #tpu.memory_space<vmem_shared>>
      tpu.enqueue_indirect_dma source(%dma_start3A_145 : memref<128x128xf32, #tpu.memory_space<vmem>>) target(%dma_start3A_151 : memref<10112x128xf32, #tpu.memory_space<vmem_shared>>) offsets(%dma_start3A_148 : memref<128xi32, #tpu.memory_space<vmem>>) semaphore(%arg13 : memref<!tpu.dma_semaphore, #tpu.memory_space<semaphore_mem>>) {add = true}
      %add3A_152 = arith.constant 2 : i32
      %add3A_153 = arith.addi %add3A_115, %add3A_152 : i32
      %lt3A = arith.cmpi slt, %add3A_153, %select_n3A : i32
      %convert_element_type3A = arith.extui %lt3A : i1 to i32
      %cond3A = arith.constant 0 : i32
      %cond3A_154 = arith.cmpi ne, %convert_element_type3A, %cond3A : i32
      scf.if %cond3A_154 {
        %dma_wait3A_201 = arith.constant 0 : i32
        %dma_wait3A_202 = arith.constant 0 : i32
        %dma_wait3A_203 = arith.constant 0 : i32
        %dma_wait3A_204 = arith.constant 0 : i32
        %dma_wait3A_205 = tpu.memref_slice %arg9[%dma_wait3A_201, %dma_wait3A_203, %dma_wait3A_204] : memref<2x128x128xf32, #tpu.memory_space<vmem>> -> memref<1x128x128xf32, #tpu.memory_space<vmem>>
        %dma_wait3A_206 = tpu.memref_squeeze %dma_wait3A_205 : memref<1x128x128xf32, #tpu.memory_space<vmem>> -> memref<128x128xf32, #tpu.memory_space<vmem>>
        %dma_wait3A_207 = arith.constant 0 : i32
        %dma_wait3A_208 = tpu.memref_slice %arg8[%dma_wait3A_202, %dma_wait3A_207] : memref<2x128xi32, #tpu.memory_space<vmem>> -> memref<1x128xi32, #tpu.memory_space<vmem>>
        %dma_wait3A_209 = tpu.memref_squeeze %dma_wait3A_208 : memref<1x128xi32, #tpu.memory_space<vmem>> -> memref<128xi32, #tpu.memory_space<vmem>>
        %dma_wait3A_210 = arith.constant 0 : i32
        %dma_wait3A_211 = arith.constant 0 : i32
        %dma_wait3A_212 = tpu.memref_slice %arg10[%dma_wait3A_210, %dma_wait3A_211] : memref<10112x128xf32, #tpu.memory_space<vmem_shared>> -> memref<10112x128xf32, #tpu.memory_space<vmem_shared>>
        tpu.wait_indirect_dma semaphore(%arg13 : memref<!tpu.dma_semaphore, #tpu.memory_space<semaphore_mem>>) src(%dma_wait3A_206 : memref<128x128xf32, #tpu.memory_space<vmem>>) dst(%dma_wait3A_212 : memref<10112x128xf32, #tpu.memory_space<vmem_shared>>)
        %dma_start3A_213 = arith.constant 0 : i32
        %dma_start3A_214 = arith.constant 0 : i32
        %dma_start3A_215 = tpu.memref_slice %arg8[%dma_start3A_213, %dma_start3A_214] : memref<2x128xi32, #tpu.memory_space<vmem>> -> memref<1x128xi32, #tpu.memory_space<vmem>>
        %dma_start3A_216 = tpu.memref_squeeze %dma_start3A_215 : memref<1x128xi32, #tpu.memory_space<vmem>> -> memref<128xi32, #tpu.memory_space<vmem>>
        %dma_start3A_217 = arith.constant 0 : i32
        %dma_start3A_218 = tpu.memref_slice %arg4[%add3A, %add3A_153, %dma_start3A_217] : memref<32x80x128xi32, #tpu.memory_space<hbm>> -> memref<1x1x128xi32, #tpu.memory_space<hbm>>
        %dma_start3A_219 = tpu.memref_squeeze %dma_start3A_218 : memref<1x1x128xi32, #tpu.memory_space<hbm>> -> memref<128xi32, #tpu.memory_space<hbm>>
        %dma_start3A_220 = arith.constant 0 : i32
        %dma_start3A_221 = tpu.memref_slice %arg8[%dma_start3A_213, %dma_start3A_220] : memref<2x128xi32, #tpu.memory_space<vmem>> -> memref<1x128xi32, #tpu.memory_space<vmem>>
        %dma_start3A_222 = tpu.memref_squeeze %dma_start3A_221 : memref<1x128xi32, #tpu.memory_space<vmem>> -> memref<128xi32, #tpu.memory_space<vmem>>
        %dma_start3A_223 = arith.constant 0 : i32
        %dma_start3A_224 = tpu.memref_slice %arg4[%add3A, %add3A_153, %dma_start3A_223] : memref<32x80x128xi32, #tpu.memory_space<hbm>> -> memref<1x1x128xi32, #tpu.memory_space<hbm>>
        %dma_start3A_225 = tpu.memref_squeeze %dma_start3A_224 : memref<1x1x128xi32, #tpu.memory_space<hbm>> -> memref<128xi32, #tpu.memory_space<hbm>>
        tpu.enqueue_dma source(%dma_start3A_225 : memref<128xi32, #tpu.memory_space<hbm>>) target(%dma_start3A_222 : memref<128xi32, #tpu.memory_space<vmem>>) target_semaphore(%arg15 : memref<!tpu.dma_semaphore, #tpu.memory_space<semaphore_mem>>)
        %dma_start3A_226 = arith.constant 0 : i32
        %dma_start3A_227 = arith.constant 0 : i32
        %dma_start3A_228 = arith.constant 0 : i32
        %dma_start3A_229 = tpu.memref_slice %arg9[%dma_start3A_226, %dma_start3A_227, %dma_start3A_228] : memref<2x128x128xf32, #tpu.memory_space<vmem>> -> memref<1x128x128xf32, #tpu.memory_space<vmem>>
        %dma_start3A_230 = tpu.memref_squeeze %dma_start3A_229 : memref<1x128x128xf32, #tpu.memory_space<vmem>> -> memref<128x128xf32, #tpu.memory_space<vmem>>
        %dma_start3A_231 = arith.constant 0 : i32
        %dma_start3A_232 = tpu.memref_slice %arg7[%add3A_153, %dma_start3A_231] : memref<80x128xi32, #tpu.memory_space<vmem>> -> memref<1x128xi32, #tpu.memory_space<vmem>>
        %dma_start3A_233 = tpu.memref_squeeze %dma_start3A_232 : memref<1x128xi32, #tpu.memory_space<vmem>> -> memref<128xi32, #tpu.memory_space<vmem>>
        %dma_start3A_234 = arith.constant 0 : i32
        %dma_start3A_235 = arith.constant 0 : i32
        %dma_start3A_236 = tpu.memref_slice %arg2[%dma_start3A_234, %dma_start3A_235] : memref<50000x128xf32, #tpu.memory_space<hbm>> -> memref<50000x128xf32, #tpu.memory_space<hbm>>
        tpu.enqueue_indirect_dma source(%dma_start3A_236 : memref<50000x128xf32, #tpu.memory_space<hbm>>) target(%dma_start3A_230 : memref<128x128xf32, #tpu.memory_space<vmem>>) offsets(%dma_start3A_233 : memref<128xi32, #tpu.memory_space<vmem>>) semaphore(%arg11 : memref<!tpu.dma_semaphore, #tpu.memory_space<semaphore_mem>>)
      } else {
      }
      %mul3A_155 = arith.constant 2 : i32
      %mul3A_156 = arith.muli %while3A_111, %mul3A_155 : i32
      %add3A_157 = arith.constant 1 : i32
      %add3A_158 = arith.addi %mul3A_156, %add3A_157 : i32
      %dma_wait3A_159 = arith.constant 1 : i32
      %dma_wait3A_160 = arith.constant 0 : i32
      %dma_wait3A_161 = arith.constant 0 : i32
      %dma_wait3A_162 = tpu.memref_slice %arg9[%dma_wait3A_159, %dma_wait3A_160, %dma_wait3A_161] : memref<2x128x128xf32, #tpu.memory_space<vmem>> -> memref<1x128x128xf32, #tpu.memory_space<vmem>>
      %dma_wait3A_163 = tpu.memref_squeeze %dma_wait3A_162 : memref<1x128x128xf32, #tpu.memory_space<vmem>> -> memref<128x128xf32, #tpu.memory_space<vmem>>
      %dma_wait3A_164 = arith.constant 0 : i32
      %dma_wait3A_165 = tpu.memref_slice %arg7[%add3A_158, %dma_wait3A_164] : memref<80x128xi32, #tpu.memory_space<vmem>> -> memref<1x128xi32, #tpu.memory_space<vmem>>
      %dma_wait3A_166 = tpu.memref_squeeze %dma_wait3A_165 : memref<1x128xi32, #tpu.memory_space<vmem>> -> memref<128xi32, #tpu.memory_space<vmem>>
      %dma_wait3A_167 = arith.constant 0 : i32
      %dma_wait3A_168 = arith.constant 0 : i32
      %dma_wait3A_169 = tpu.memref_slice %arg2[%dma_wait3A_167, %dma_wait3A_168] : memref<50000x128xf32, #tpu.memory_space<hbm>> -> memref<50000x128xf32, #tpu.memory_space<hbm>>
      tpu.wait_indirect_dma semaphore(%arg12 : memref<!tpu.dma_semaphore, #tpu.memory_space<semaphore_mem>>) src(%dma_wait3A_169 : memref<50000x128xf32, #tpu.memory_space<hbm>>) dst(%dma_wait3A_163 : memref<128x128xf32, #tpu.memory_space<vmem>>)
      %dma_wait3A_170 = arith.constant 1 : i32
      %dma_wait3A_171 = arith.constant 0 : i32
      %dma_wait3A_172 = tpu.memref_slice %arg8[%dma_wait3A_170, %dma_wait3A_171] : memref<2x128xi32, #tpu.memory_space<vmem>> -> memref<1x128xi32, #tpu.memory_space<vmem>>
      %dma_wait3A_173 = tpu.memref_squeeze %dma_wait3A_172 : memref<1x128xi32, #tpu.memory_space<vmem>> -> memref<128xi32, #tpu.memory_space<vmem>>
      %dma_wait3A_174 = arith.constant 0 : i32
      %dma_wait3A_175 = tpu.memref_slice %arg4[%add3A, %add3A_158, %dma_wait3A_174] : memref<32x80x128xi32, #tpu.memory_space<hbm>> -> memref<1x1x128xi32, #tpu.memory_space<hbm>>
      %dma_wait3A_176 = tpu.memref_squeeze %dma_wait3A_175 : memref<1x1x128xi32, #tpu.memory_space<hbm>> -> memref<128xi32, #tpu.memory_space<hbm>>
      %dma_wait3A_177 = arith.constant 0 : i32
      %dma_wait3A_178 = tpu.memref_slice %arg8[%dma_wait3A_170, %dma_wait3A_177] : memref<2x128xi32, #tpu.memory_space<vmem>> -> memref<1x128xi32, #tpu.memory_space<vmem>>
      %dma_wait3A_179 = tpu.memref_squeeze %dma_wait3A_178 : memref<1x128xi32, #tpu.memory_space<vmem>> -> memref<128xi32, #tpu.memory_space<vmem>>
      %dma_wait3A_180 = arith.constant 0 : i32
      %dma_wait3A_181 = tpu.memref_slice %arg4[%add3A, %add3A_158, %dma_wait3A_180] : memref<32x80x128xi32, #tpu.memory_space<hbm>> -> memref<1x1x128xi32, #tpu.memory_space<hbm>>
      %dma_wait3A_182 = tpu.memref_squeeze %dma_wait3A_181 : memref<1x1x128xi32, #tpu.memory_space<hbm>> -> memref<128xi32, #tpu.memory_space<hbm>>
      tpu.wait_dma2 semaphore(%arg16 : memref<!tpu.dma_semaphore, #tpu.memory_space<semaphore_mem>>) src(%dma_wait3A_182 : memref<128xi32, #tpu.memory_space<hbm>>) dst(%dma_wait3A_179 : memref<128xi32, #tpu.memory_space<vmem>>)
      %dma_start3A_183 = arith.constant 1 : i32
      %dma_start3A_184 = arith.constant 1 : i32
      %dma_start3A_185 = arith.constant 0 : i32
      %dma_start3A_186 = arith.constant 0 : i32
      %dma_start3A_187 = tpu.memref_slice %arg9[%dma_start3A_183, %dma_start3A_185, %dma_start3A_186] : memref<2x128x128xf32, #tpu.memory_space<vmem>> -> memref<1x128x128xf32, #tpu.memory_space<vmem>>
      %dma_start3A_188 = tpu.memref_squeeze %dma_start3A_187 : memref<1x128x128xf32, #tpu.memory_space<vmem>> -> memref<128x128xf32, #tpu.memory_space<vmem>>
      %dma_start3A_189 = arith.constant 0 : i32
      %dma_start3A_190 = tpu.memref_slice %arg8[%dma_start3A_184, %dma_start3A_189] : memref<2x128xi32, #tpu.memory_space<vmem>> -> memref<1x128xi32, #tpu.memory_space<vmem>>
      %dma_start3A_191 = tpu.memref_squeeze %dma_start3A_190 : memref<1x128xi32, #tpu.memory_space<vmem>> -> memref<128xi32, #tpu.memory_space<vmem>>
      %dma_start3A_192 = arith.constant 0 : i32
      %dma_start3A_193 = arith.constant 0 : i32
      %dma_start3A_194 = tpu.memref_slice %arg10[%dma_start3A_192, %dma_start3A_193] : memref<10112x128xf32, #tpu.memory_space<vmem_shared>> -> memref<10112x128xf32, #tpu.memory_space<vmem_shared>>
      tpu.enqueue_indirect_dma source(%dma_start3A_188 : memref<128x128xf32, #tpu.memory_space<vmem>>) target(%dma_start3A_194 : memref<10112x128xf32, #tpu.memory_space<vmem_shared>>) offsets(%dma_start3A_191 : memref<128xi32, #tpu.memory_space<vmem>>) semaphore(%arg14 : memref<!tpu.dma_semaphore, #tpu.memory_space<semaphore_mem>>) {add = true}
      %add3A_195 = arith.constant 2 : i32
      %add3A_196 = arith.addi %add3A_158, %add3A_195 : i32
      %lt3A_197 = arith.cmpi slt, %add3A_196, %select_n3A : i32
      %convert_element_type3A_198 = arith.extui %lt3A_197 : i1 to i32
      %cond3A_199 = arith.constant 0 : i32
      %cond3A_200 = arith.cmpi ne, %convert_element_type3A_198, %cond3A_199 : i32
      scf.if %cond3A_200 {
        %dma_wait3A_201 = arith.constant 1 : i32
        %dma_wait3A_202 = arith.constant 1 : i32
        %dma_wait3A_203 = arith.constant 0 : i32
        %dma_wait3A_204 = arith.constant 0 : i32
        %dma_wait3A_205 = tpu.memref_slice %arg9[%dma_wait3A_201, %dma_wait3A_203, %dma_wait3A_204] : memref<2x128x128xf32, #tpu.memory_space<vmem>> -> memref<1x128x128xf32, #tpu.memory_space<vmem>>
        %dma_wait3A_206 = tpu.memref_squeeze %dma_wait3A_205 : memref<1x128x128xf32, #tpu.memory_space<vmem>> -> memref<128x128xf32, #tpu.memory_space<vmem>>
        %dma_wait3A_207 = arith.constant 0 : i32
        %dma_wait3A_208 = tpu.memref_slice %arg8[%dma_wait3A_202, %dma_wait3A_207] : memref<2x128xi32, #tpu.memory_space<vmem>> -> memref<1x128xi32, #tpu.memory_space<vmem>>
        %dma_wait3A_209 = tpu.memref_squeeze %dma_wait3A_208 : memref<1x128xi32, #tpu.memory_space<vmem>> -> memref<128xi32, #tpu.memory_space<vmem>>
        %dma_wait3A_210 = arith.constant 0 : i32
        %dma_wait3A_211 = arith.constant 0 : i32
        %dma_wait3A_212 = tpu.memref_slice %arg10[%dma_wait3A_210, %dma_wait3A_211] : memref<10112x128xf32, #tpu.memory_space<vmem_shared>> -> memref<10112x128xf32, #tpu.memory_space<vmem_shared>>
        tpu.wait_indirect_dma semaphore(%arg14 : memref<!tpu.dma_semaphore, #tpu.memory_space<semaphore_mem>>) src(%dma_wait3A_206 : memref<128x128xf32, #tpu.memory_space<vmem>>) dst(%dma_wait3A_212 : memref<10112x128xf32, #tpu.memory_space<vmem_shared>>)
        %dma_start3A_213 = arith.constant 1 : i32
        %dma_start3A_214 = arith.constant 0 : i32
        %dma_start3A_215 = tpu.memref_slice %arg8[%dma_start3A_213, %dma_start3A_214] : memref<2x128xi32, #tpu.memory_space<vmem>> -> memref<1x128xi32, #tpu.memory_space<vmem>>
        %dma_start3A_216 = tpu.memref_squeeze %dma_start3A_215 : memref<1x128xi32, #tpu.memory_space<vmem>> -> memref<128xi32, #tpu.memory_space<vmem>>
        %dma_start3A_217 = arith.constant 0 : i32
        %dma_start3A_218 = tpu.memref_slice %arg4[%add3A, %add3A_196, %dma_start3A_217] : memref<32x80x128xi32, #tpu.memory_space<hbm>> -> memref<1x1x128xi32, #tpu.memory_space<hbm>>
        %dma_start3A_219 = tpu.memref_squeeze %dma_start3A_218 : memref<1x1x128xi32, #tpu.memory_space<hbm>> -> memref<128xi32, #tpu.memory_space<hbm>>
        %dma_start3A_220 = arith.constant 0 : i32
        %dma_start3A_221 = tpu.memref_slice %arg8[%dma_start3A_213, %dma_start3A_220] : memref<2x128xi32, #tpu.memory_space<vmem>> -> memref<1x128xi32, #tpu.memory_space<vmem>>
        %dma_start3A_222 = tpu.memref_squeeze %dma_start3A_221 : memref<1x128xi32, #tpu.memory_space<vmem>> -> memref<128xi32, #tpu.memory_space<vmem>>
        %dma_start3A_223 = arith.constant 0 : i32
        %dma_start3A_224 = tpu.memref_slice %arg4[%add3A, %add3A_196, %dma_start3A_223] : memref<32x80x128xi32, #tpu.memory_space<hbm>> -> memref<1x1x128xi32, #tpu.memory_space<hbm>>
        %dma_start3A_225 = tpu.memref_squeeze %dma_start3A_224 : memref<1x1x128xi32, #tpu.memory_space<hbm>> -> memref<128xi32, #tpu.memory_space<hbm>>
        tpu.enqueue_dma source(%dma_start3A_225 : memref<128xi32, #tpu.memory_space<hbm>>) target(%dma_start3A_222 : memref<128xi32, #tpu.memory_space<vmem>>) target_semaphore(%arg16 : memref<!tpu.dma_semaphore, #tpu.memory_space<semaphore_mem>>)
        %dma_start3A_226 = arith.constant 1 : i32
        %dma_start3A_227 = arith.constant 0 : i32
        %dma_start3A_228 = arith.constant 0 : i32
        %dma_start3A_229 = tpu.memref_slice %arg9[%dma_start3A_226, %dma_start3A_227, %dma_start3A_228] : memref<2x128x128xf32, #tpu.memory_space<vmem>> -> memref<1x128x128xf32, #tpu.memory_space<vmem>>
        %dma_start3A_230 = tpu.memref_squeeze %dma_start3A_229 : memref<1x128x128xf32, #tpu.memory_space<vmem>> -> memref<128x128xf32, #tpu.memory_space<vmem>>
        %dma_start3A_231 = arith.constant 0 : i32
        %dma_start3A_232 = tpu.memref_slice %arg7[%add3A_196, %dma_start3A_231] : memref<80x128xi32, #tpu.memory_space<vmem>> -> memref<1x128xi32, #tpu.memory_space<vmem>>
        %dma_start3A_233 = tpu.memref_squeeze %dma_start3A_232 : memref<1x128xi32, #tpu.memory_space<vmem>> -> memref<128xi32, #tpu.memory_space<vmem>>
        %dma_start3A_234 = arith.constant 0 : i32
        %dma_start3A_235 = arith.constant 0 : i32
        %dma_start3A_236 = tpu.memref_slice %arg2[%dma_start3A_234, %dma_start3A_235] : memref<50000x128xf32, #tpu.memory_space<hbm>> -> memref<50000x128xf32, #tpu.memory_space<hbm>>
        tpu.enqueue_indirect_dma source(%dma_start3A_236 : memref<50000x128xf32, #tpu.memory_space<hbm>>) target(%dma_start3A_230 : memref<128x128xf32, #tpu.memory_space<vmem>>) offsets(%dma_start3A_233 : memref<128xi32, #tpu.memory_space<vmem>>) semaphore(%arg12 : memref<!tpu.dma_semaphore, #tpu.memory_space<semaphore_mem>>)
      } else {
      }
    }
    %while3A_82 = arith.constant 1 : i32
    scf.for %while3A_111 = %while3A_80 to %while3A_76 step %while3A_82  : i32 {
      %mul3A_112 = arith.constant 2 : i32
      %mul3A_113 = arith.muli %while3A_111, %mul3A_112 : i32
      %add3A_114 = arith.constant 0 : i32
      %add3A_115 = arith.addi %mul3A_113, %add3A_114 : i32
      %dma_wait3A_116 = arith.constant 0 : i32
      %dma_wait3A_117 = arith.constant 0 : i32
      %dma_wait3A_118 = arith.constant 0 : i32
      %dma_wait3A_119 = tpu.memref_slice %arg9[%dma_wait3A_116, %dma_wait3A_117, %dma_wait3A_118] : memref<2x128x128xf32, #tpu.memory_space<vmem>> -> memref<1x128x128xf32, #tpu.memory_space<vmem>>
      %dma_wait3A_120 = tpu.memref_squeeze %dma_wait3A_119 : memref<1x128x128xf32, #tpu.memory_space<vmem>> -> memref<128x128xf32, #tpu.memory_space<vmem>>
      %dma_wait3A_121 = arith.constant 0 : i32
      %dma_wait3A_122 = tpu.memref_slice %arg7[%add3A_115, %dma_wait3A_121] : memref<80x128xi32, #tpu.memory_space<vmem>> -> memref<1x128xi32, #tpu.memory_space<vmem>>
      %dma_wait3A_123 = tpu.memref_squeeze %dma_wait3A_122 : memref<1x128xi32, #tpu.memory_space<vmem>> -> memref<128xi32, #tpu.memory_space<vmem>>
      %dma_wait3A_124 = arith.constant 0 : i32
      %dma_wait3A_125 = arith.constant 0 : i32
      %dma_wait3A_126 = tpu.memref_slice %arg2[%dma_wait3A_124, %dma_wait3A_125] : memref<50000x128xf32, #tpu.memory_space<hbm>> -> memref<50000x128xf32, #tpu.memory_space<hbm>>
      tpu.wait_indirect_dma semaphore(%arg11 : memref<!tpu.dma_semaphore, #tpu.memory_space<semaphore_mem>>) src(%dma_wait3A_126 : memref<50000x128xf32, #tpu.memory_space<hbm>>) dst(%dma_wait3A_120 : memref<128x128xf32, #tpu.memory_space<vmem>>)
      %dma_wait3A_127 = arith.constant 0 : i32
      %dma_wait3A_128 = arith.constant 0 : i32
      %dma_wait3A_129 = tpu.memref_slice %arg8[%dma_wait3A_127, %dma_wait3A_128] : memref<2x128xi32, #tpu.memory_space<vmem>> -> memref<1x128xi32, #tpu.memory_space<vmem>>
      %dma_wait3A_130 = tpu.memref_squeeze %dma_wait3A_129 : memref<1x128xi32, #tpu.memory_space<vmem>> -> memref<128xi32, #tpu.memory_space<vmem>>
      %dma_wait3A_131 = arith.constant 0 : i32
      %dma_wait3A_132 = tpu.memref_slice %arg4[%add3A, %add3A_115, %dma_wait3A_131] : memref<32x80x128xi32, #tpu.memory_space<hbm>> -> memref<1x1x128xi32, #tpu.memory_space<hbm>>
      %dma_wait3A_133 = tpu.memref_squeeze %dma_wait3A_132 : memref<1x1x128xi32, #tpu.memory_space<hbm>> -> memref<128xi32, #tpu.memory_space<hbm>>
      %dma_wait3A_134 = arith.constant 0 : i32
      %dma_wait3A_135 = tpu.memref_slice %arg8[%dma_wait3A_127, %dma_wait3A_134] : memref<2x128xi32, #tpu.memory_space<vmem>> -> memref<1x128xi32, #tpu.memory_space<vmem>>
      %dma_wait3A_136 = tpu.memref_squeeze %dma_wait3A_135 : memref<1x128xi32, #tpu.memory_space<vmem>> -> memref<128xi32, #tpu.memory_space<vmem>>
      %dma_wait3A_137 = arith.constant 0 : i32
      %dma_wait3A_138 = tpu.memref_slice %arg4[%add3A, %add3A_115, %dma_wait3A_137] : memref<32x80x128xi32, #tpu.memory_space<hbm>> -> memref<1x1x128xi32, #tpu.memory_space<hbm>>
      %dma_wait3A_139 = tpu.memref_squeeze %dma_wait3A_138 : memref<1x1x128xi32, #tpu.memory_space<hbm>> -> memref<128xi32, #tpu.memory_space<hbm>>
      tpu.wait_dma2 semaphore(%arg15 : memref<!tpu.dma_semaphore, #tpu.memory_space<semaphore_mem>>) src(%dma_wait3A_139 : memref<128xi32, #tpu.memory_space<hbm>>) dst(%dma_wait3A_136 : memref<128xi32, #tpu.memory_space<vmem>>)
      %dma_start3A_140 = arith.constant 0 : i32
      %dma_start3A_141 = arith.constant 0 : i32
      %dma_start3A_142 = arith.constant 0 : i32
      %dma_start3A_143 = arith.constant 0 : i32
      %dma_start3A_144 = tpu.memref_slice %arg9[%dma_start3A_140, %dma_start3A_142, %dma_start3A_143] : memref<2x128x128xf32, #tpu.memory_space<vmem>> -> memref<1x128x128xf32, #tpu.memory_space<vmem>>
      %dma_start3A_145 = tpu.memref_squeeze %dma_start3A_144 : memref<1x128x128xf32, #tpu.memory_space<vmem>> -> memref<128x128xf32, #tpu.memory_space<vmem>>
      %dma_start3A_146 = arith.constant 0 : i32
      %dma_start3A_147 = tpu.memref_slice %arg8[%dma_start3A_141, %dma_start3A_146] : memref<2x128xi32, #tpu.memory_space<vmem>> -> memref<1x128xi32, #tpu.memory_space<vmem>>
      %dma_start3A_148 = tpu.memref_squeeze %dma_start3A_147 : memref<1x128xi32, #tpu.memory_space<vmem>> -> memref<128xi32, #tpu.memory_space<vmem>>
      %dma_start3A_149 = arith.constant 0 : i32
      %dma_start3A_150 = arith.constant 0 : i32
      %dma_start3A_151 = tpu.memref_slice %arg10[%dma_start3A_149, %dma_start3A_150] : memref<10112x128xf32, #tpu.memory_space<vmem_shared>> -> memref<10112x128xf32, #tpu.memory_space<vmem_shared>>
      tpu.enqueue_indirect_dma source(%dma_start3A_145 : memref<128x128xf32, #tpu.memory_space<vmem>>) target(%dma_start3A_151 : memref<10112x128xf32, #tpu.memory_space<vmem_shared>>) offsets(%dma_start3A_148 : memref<128xi32, #tpu.memory_space<vmem>>) semaphore(%arg13 : memref<!tpu.dma_semaphore, #tpu.memory_space<semaphore_mem>>) {add = true}
      %add3A_152 = arith.constant 2 : i32
      %add3A_153 = arith.addi %add3A_115, %add3A_152 : i32
      %lt3A = arith.cmpi slt, %add3A_153, %select_n3A : i32
      %convert_element_type3A = arith.extui %lt3A : i1 to i32
      %cond3A = arith.constant 0 : i32
      %cond3A_154 = arith.cmpi ne, %convert_element_type3A, %cond3A : i32
      scf.if %cond3A_154 {
        %dma_wait3A_201 = arith.constant 0 : i32
        %dma_wait3A_202 = arith.constant 0 : i32
        %dma_wait3A_203 = arith.constant 0 : i32
        %dma_wait3A_204 = arith.constant 0 : i32
        %dma_wait3A_205 = tpu.memref_slice %arg9[%dma_wait3A_201, %dma_wait3A_203, %dma_wait3A_204] : memref<2x128x128xf32, #tpu.memory_space<vmem>> -> memref<1x128x128xf32, #tpu.memory_space<vmem>>
        %dma_wait3A_206 = tpu.memref_squeeze %dma_wait3A_205 : memref<1x128x128xf32, #tpu.memory_space<vmem>> -> memref<128x128xf32, #tpu.memory_space<vmem>>
        %dma_wait3A_207 = arith.constant 0 : i32
        %dma_wait3A_208 = tpu.memref_slice %arg8[%dma_wait3A_202, %dma_wait3A_207] : memref<2x128xi32, #tpu.memory_space<vmem>> -> memref<1x128xi32, #tpu.memory_space<vmem>>
        %dma_wait3A_209 = tpu.memref_squeeze %dma_wait3A_208 : memref<1x128xi32, #tpu.memory_space<vmem>> -> memref<128xi32, #tpu.memory_space<vmem>>
        %dma_wait3A_210 = arith.constant 0 : i32
        %dma_wait3A_211 = arith.constant 0 : i32
        %dma_wait3A_212 = tpu.memref_slice %arg10[%dma_wait3A_210, %dma_wait3A_211] : memref<10112x128xf32, #tpu.memory_space<vmem_shared>> -> memref<10112x128xf32, #tpu.memory_space<vmem_shared>>
        tpu.wait_indirect_dma semaphore(%arg13 : memref<!tpu.dma_semaphore, #tpu.memory_space<semaphore_mem>>) src(%dma_wait3A_206 : memref<128x128xf32, #tpu.memory_space<vmem>>) dst(%dma_wait3A_212 : memref<10112x128xf32, #tpu.memory_space<vmem_shared>>)
        %dma_start3A_213 = arith.constant 0 : i32
        %dma_start3A_214 = arith.constant 0 : i32
        %dma_start3A_215 = tpu.memref_slice %arg8[%dma_start3A_213, %dma_start3A_214] : memref<2x128xi32, #tpu.memory_space<vmem>> -> memref<1x128xi32, #tpu.memory_space<vmem>>
        %dma_start3A_216 = tpu.memref_squeeze %dma_start3A_215 : memref<1x128xi32, #tpu.memory_space<vmem>> -> memref<128xi32, #tpu.memory_space<vmem>>
        %dma_start3A_217 = arith.constant 0 : i32
        %dma_start3A_218 = tpu.memref_slice %arg4[%add3A, %add3A_153, %dma_start3A_217] : memref<32x80x128xi32, #tpu.memory_space<hbm>> -> memref<1x1x128xi32, #tpu.memory_space<hbm>>
        %dma_start3A_219 = tpu.memref_squeeze %dma_start3A_218 : memref<1x1x128xi32, #tpu.memory_space<hbm>> -> memref<128xi32, #tpu.memory_space<hbm>>
        %dma_start3A_220 = arith.constant 0 : i32
        %dma_start3A_221 = tpu.memref_slice %arg8[%dma_start3A_213, %dma_start3A_220] : memref<2x128xi32, #tpu.memory_space<vmem>> -> memref<1x128xi32, #tpu.memory_space<vmem>>
        %dma_start3A_222 = tpu.memref_squeeze %dma_start3A_221 : memref<1x128xi32, #tpu.memory_space<vmem>> -> memref<128xi32, #tpu.memory_space<vmem>>
        %dma_start3A_223 = arith.constant 0 : i32
        %dma_start3A_224 = tpu.memref_slice %arg4[%add3A, %add3A_153, %dma_start3A_223] : memref<32x80x128xi32, #tpu.memory_space<hbm>> -> memref<1x1x128xi32, #tpu.memory_space<hbm>>
        %dma_start3A_225 = tpu.memref_squeeze %dma_start3A_224 : memref<1x1x128xi32, #tpu.memory_space<hbm>> -> memref<128xi32, #tpu.memory_space<hbm>>
        tpu.enqueue_dma source(%dma_start3A_225 : memref<128xi32, #tpu.memory_space<hbm>>) target(%dma_start3A_222 : memref<128xi32, #tpu.memory_space<vmem>>) target_semaphore(%arg15 : memref<!tpu.dma_semaphore, #tpu.memory_space<semaphore_mem>>)
        %dma_start3A_226 = arith.constant 0 : i32
        %dma_start3A_227 = arith.constant 0 : i32
        %dma_start3A_228 = arith.constant 0 : i32
        %dma_start3A_229 = tpu.memref_slice %arg9[%dma_start3A_226, %dma_start3A_227, %dma_start3A_228] : memref<2x128x128xf32, #tpu.memory_space<vmem>> -> memref<1x128x128xf32, #tpu.memory_space<vmem>>
        %dma_start3A_230 = tpu.memref_squeeze %dma_start3A_229 : memref<1x128x128xf32, #tpu.memory_space<vmem>> -> memref<128x128xf32, #tpu.memory_space<vmem>>
        %dma_start3A_231 = arith.constant 0 : i32
        %dma_start3A_232 = tpu.memref_slice %arg7[%add3A_153, %dma_start3A_231] : memref<80x128xi32, #tpu.memory_space<vmem>> -> memref<1x128xi32, #tpu.memory_space<vmem>>
        %dma_start3A_233 = tpu.memref_squeeze %dma_start3A_232 : memref<1x128xi32, #tpu.memory_space<vmem>> -> memref<128xi32, #tpu.memory_space<vmem>>
        %dma_start3A_234 = arith.constant 0 : i32
        %dma_start3A_235 = arith.constant 0 : i32
        %dma_start3A_236 = tpu.memref_slice %arg2[%dma_start3A_234, %dma_start3A_235] : memref<50000x128xf32, #tpu.memory_space<hbm>> -> memref<50000x128xf32, #tpu.memory_space<hbm>>
        tpu.enqueue_indirect_dma source(%dma_start3A_236 : memref<50000x128xf32, #tpu.memory_space<hbm>>) target(%dma_start3A_230 : memref<128x128xf32, #tpu.memory_space<vmem>>) offsets(%dma_start3A_233 : memref<128xi32, #tpu.memory_space<vmem>>) semaphore(%arg11 : memref<!tpu.dma_semaphore, #tpu.memory_space<semaphore_mem>>)
      } else {
      }
      %mul3A_155 = arith.constant 2 : i32
      %mul3A_156 = arith.muli %while3A_111, %mul3A_155 : i32
      %add3A_157 = arith.constant 1 : i32
      %add3A_158 = arith.addi %mul3A_156, %add3A_157 : i32
      %dma_wait3A_159 = arith.constant 1 : i32
      %dma_wait3A_160 = arith.constant 0 : i32
      %dma_wait3A_161 = arith.constant 0 : i32
      %dma_wait3A_162 = tpu.memref_slice %arg9[%dma_wait3A_159, %dma_wait3A_160, %dma_wait3A_161] : memref<2x128x128xf32, #tpu.memory_space<vmem>> -> memref<1x128x128xf32, #tpu.memory_space<vmem>>
      %dma_wait3A_163 = tpu.memref_squeeze %dma_wait3A_162 : memref<1x128x128xf32, #tpu.memory_space<vmem>> -> memref<128x128xf32, #tpu.memory_space<vmem>>
      %dma_wait3A_164 = arith.constant 0 : i32
      %dma_wait3A_165 = tpu.memref_slice %arg7[%add3A_158, %dma_wait3A_164] : memref<80x128xi32, #tpu.memory_space<vmem>> -> memref<1x128xi32, #tpu.memory_space<vmem>>
      %dma_wait3A_166 = tpu.memref_squeeze %dma_wait3A_165 : memref<1x128xi32, #tpu.memory_space<vmem>> -> memref<128xi32, #tpu.memory_space<vmem>>
      %dma_wait3A_167 = arith.constant 0 : i32
      %dma_wait3A_168 = arith.constant 0 : i32
      %dma_wait3A_169 = tpu.memref_slice %arg2[%dma_wait3A_167, %dma_wait3A_168] : memref<50000x128xf32, #tpu.memory_space<hbm>> -> memref<50000x128xf32, #tpu.memory_space<hbm>>
      tpu.wait_indirect_dma semaphore(%arg12 : memref<!tpu.dma_semaphore, #tpu.memory_space<semaphore_mem>>) src(%dma_wait3A_169 : memref<50000x128xf32, #tpu.memory_space<hbm>>) dst(%dma_wait3A_163 : memref<128x128xf32, #tpu.memory_space<vmem>>)
      %dma_wait3A_170 = arith.constant 1 : i32
      %dma_wait3A_171 = arith.constant 0 : i32
      %dma_wait3A_172 = tpu.memref_slice %arg8[%dma_wait3A_170, %dma_wait3A_171] : memref<2x128xi32, #tpu.memory_space<vmem>> -> memref<1x128xi32, #tpu.memory_space<vmem>>
      %dma_wait3A_173 = tpu.memref_squeeze %dma_wait3A_172 : memref<1x128xi32, #tpu.memory_space<vmem>> -> memref<128xi32, #tpu.memory_space<vmem>>
      %dma_wait3A_174 = arith.constant 0 : i32
      %dma_wait3A_175 = tpu.memref_slice %arg4[%add3A, %add3A_158, %dma_wait3A_174] : memref<32x80x128xi32, #tpu.memory_space<hbm>> -> memref<1x1x128xi32, #tpu.memory_space<hbm>>
      %dma_wait3A_176 = tpu.memref_squeeze %dma_wait3A_175 : memref<1x1x128xi32, #tpu.memory_space<hbm>> -> memref<128xi32, #tpu.memory_space<hbm>>
      %dma_wait3A_177 = arith.constant 0 : i32
      %dma_wait3A_178 = tpu.memref_slice %arg8[%dma_wait3A_170, %dma_wait3A_177] : memref<2x128xi32, #tpu.memory_space<vmem>> -> memref<1x128xi32, #tpu.memory_space<vmem>>
      %dma_wait3A_179 = tpu.memref_squeeze %dma_wait3A_178 : memref<1x128xi32, #tpu.memory_space<vmem>> -> memref<128xi32, #tpu.memory_space<vmem>>
      %dma_wait3A_180 = arith.constant 0 : i32
      %dma_wait3A_181 = tpu.memref_slice %arg4[%add3A, %add3A_158, %dma_wait3A_180] : memref<32x80x128xi32, #tpu.memory_space<hbm>> -> memref<1x1x128xi32, #tpu.memory_space<hbm>>
      %dma_wait3A_182 = tpu.memref_squeeze %dma_wait3A_181 : memref<1x1x128xi32, #tpu.memory_space<hbm>> -> memref<128xi32, #tpu.memory_space<hbm>>
      tpu.wait_dma2 semaphore(%arg16 : memref<!tpu.dma_semaphore, #tpu.memory_space<semaphore_mem>>) src(%dma_wait3A_182 : memref<128xi32, #tpu.memory_space<hbm>>) dst(%dma_wait3A_179 : memref<128xi32, #tpu.memory_space<vmem>>)
      %dma_start3A_183 = arith.constant 1 : i32
      %dma_start3A_184 = arith.constant 1 : i32
      %dma_start3A_185 = arith.constant 0 : i32
      %dma_start3A_186 = arith.constant 0 : i32
      %dma_start3A_187 = tpu.memref_slice %arg9[%dma_start3A_183, %dma_start3A_185, %dma_start3A_186] : memref<2x128x128xf32, #tpu.memory_space<vmem>> -> memref<1x128x128xf32, #tpu.memory_space<vmem>>
      %dma_start3A_188 = tpu.memref_squeeze %dma_start3A_187 : memref<1x128x128xf32, #tpu.memory_space<vmem>> -> memref<128x128xf32, #tpu.memory_space<vmem>>
      %dma_start3A_189 = arith.constant 0 : i32
      %dma_start3A_190 = tpu.memref_slice %arg8[%dma_start3A_184, %dma_start3A_189] : memref<2x128xi32, #tpu.memory_space<vmem>> -> memref<1x128xi32, #tpu.memory_space<vmem>>
      %dma_start3A_191 = tpu.memref_squeeze %dma_start3A_190 : memref<1x128xi32, #tpu.memory_space<vmem>> -> memref<128xi32, #tpu.memory_space<vmem>>
      %dma_start3A_192 = arith.constant 0 : i32
      %dma_start3A_193 = arith.constant 0 : i32
      %dma_start3A_194 = tpu.memref_slice %arg10[%dma_start3A_192, %dma_start3A_193] : memref<10112x128xf32, #tpu.memory_space<vmem_shared>> -> memref<10112x128xf32, #tpu.memory_space<vmem_shared>>
      tpu.enqueue_indirect_dma source(%dma_start3A_188 : memref<128x128xf32, #tpu.memory_space<vmem>>) target(%dma_start3A_194 : memref<10112x128xf32, #tpu.memory_space<vmem_shared>>) offsets(%dma_start3A_191 : memref<128xi32, #tpu.memory_space<vmem>>) semaphore(%arg14 : memref<!tpu.dma_semaphore, #tpu.memory_space<semaphore_mem>>) {add = true}
      %add3A_195 = arith.constant 2 : i32
      %add3A_196 = arith.addi %add3A_158, %add3A_195 : i32
      %lt3A_197 = arith.cmpi slt, %add3A_196, %select_n3A : i32
      %convert_element_type3A_198 = arith.extui %lt3A_197 : i1 to i32
      %cond3A_199 = arith.constant 0 : i32
      %cond3A_200 = arith.cmpi ne, %convert_element_type3A_198, %cond3A_199 : i32
      scf.if %cond3A_200 {
        %dma_wait3A_201 = arith.constant 1 : i32
        %dma_wait3A_202 = arith.constant 1 : i32
        %dma_wait3A_203 = arith.constant 0 : i32
        %dma_wait3A_204 = arith.constant 0 : i32
        %dma_wait3A_205 = tpu.memref_slice %arg9[%dma_wait3A_201, %dma_wait3A_203, %dma_wait3A_204] : memref<2x128x128xf32, #tpu.memory_space<vmem>> -> memref<1x128x128xf32, #tpu.memory_space<vmem>>
        %dma_wait3A_206 = tpu.memref_squeeze %dma_wait3A_205 : memref<1x128x128xf32, #tpu.memory_space<vmem>> -> memref<128x128xf32, #tpu.memory_space<vmem>>
        %dma_wait3A_207 = arith.constant 0 : i32
        %dma_wait3A_208 = tpu.memref_slice %arg8[%dma_wait3A_202, %dma_wait3A_207] : memref<2x128xi32, #tpu.memory_space<vmem>> -> memref<1x128xi32, #tpu.memory_space<vmem>>
        %dma_wait3A_209 = tpu.memref_squeeze %dma_wait3A_208 : memref<1x128xi32, #tpu.memory_space<vmem>> -> memref<128xi32, #tpu.memory_space<vmem>>
        %dma_wait3A_210 = arith.constant 0 : i32
        %dma_wait3A_211 = arith.constant 0 : i32
        %dma_wait3A_212 = tpu.memref_slice %arg10[%dma_wait3A_210, %dma_wait3A_211] : memref<10112x128xf32, #tpu.memory_space<vmem_shared>> -> memref<10112x128xf32, #tpu.memory_space<vmem_shared>>
        tpu.wait_indirect_dma semaphore(%arg14 : memref<!tpu.dma_semaphore, #tpu.memory_space<semaphore_mem>>) src(%dma_wait3A_206 : memref<128x128xf32, #tpu.memory_space<vmem>>) dst(%dma_wait3A_212 : memref<10112x128xf32, #tpu.memory_space<vmem_shared>>)
        %dma_start3A_213 = arith.constant 1 : i32
        %dma_start3A_214 = arith.constant 0 : i32
        %dma_start3A_215 = tpu.memref_slice %arg8[%dma_start3A_213, %dma_start3A_214] : memref<2x128xi32, #tpu.memory_space<vmem>> -> memref<1x128xi32, #tpu.memory_space<vmem>>
        %dma_start3A_216 = tpu.memref_squeeze %dma_start3A_215 : memref<1x128xi32, #tpu.memory_space<vmem>> -> memref<128xi32, #tpu.memory_space<vmem>>
        %dma_start3A_217 = arith.constant 0 : i32
        %dma_start3A_218 = tpu.memref_slice %arg4[%add3A, %add3A_196, %dma_start3A_217] : memref<32x80x128xi32, #tpu.memory_space<hbm>> -> memref<1x1x128xi32, #tpu.memory_space<hbm>>
        %dma_start3A_219 = tpu.memref_squeeze %dma_start3A_218 : memref<1x1x128xi32, #tpu.memory_space<hbm>> -> memref<128xi32, #tpu.memory_space<hbm>>
        %dma_start3A_220 = arith.constant 0 : i32
        %dma_start3A_221 = tpu.memref_slice %arg8[%dma_start3A_213, %dma_start3A_220] : memref<2x128xi32, #tpu.memory_space<vmem>> -> memref<1x128xi32, #tpu.memory_space<vmem>>
        %dma_start3A_222 = tpu.memref_squeeze %dma_start3A_221 : memref<1x128xi32, #tpu.memory_space<vmem>> -> memref<128xi32, #tpu.memory_space<vmem>>
        %dma_start3A_223 = arith.constant 0 : i32
        %dma_start3A_224 = tpu.memref_slice %arg4[%add3A, %add3A_196, %dma_start3A_223] : memref<32x80x128xi32, #tpu.memory_space<hbm>> -> memref<1x1x128xi32, #tpu.memory_space<hbm>>
        %dma_start3A_225 = tpu.memref_squeeze %dma_start3A_224 : memref<1x1x128xi32, #tpu.memory_space<hbm>> -> memref<128xi32, #tpu.memory_space<hbm>>
        tpu.enqueue_dma source(%dma_start3A_225 : memref<128xi32, #tpu.memory_space<hbm>>) target(%dma_start3A_222 : memref<128xi32, #tpu.memory_space<vmem>>) target_semaphore(%arg16 : memref<!tpu.dma_semaphore, #tpu.memory_space<semaphore_mem>>)
        %dma_start3A_226 = arith.constant 1 : i32
        %dma_start3A_227 = arith.constant 0 : i32
        %dma_start3A_228 = arith.constant 0 : i32
        %dma_start3A_229 = tpu.memref_slice %arg9[%dma_start3A_226, %dma_start3A_227, %dma_start3A_228] : memref<2x128x128xf32, #tpu.memory_space<vmem>> -> memref<1x128x128xf32, #tpu.memory_space<vmem>>
        %dma_start3A_230 = tpu.memref_squeeze %dma_start3A_229 : memref<1x128x128xf32, #tpu.memory_space<vmem>> -> memref<128x128xf32, #tpu.memory_space<vmem>>
        %dma_start3A_231 = arith.constant 0 : i32
        %dma_start3A_232 = tpu.memref_slice %arg7[%add3A_196, %dma_start3A_231] : memref<80x128xi32, #tpu.memory_space<vmem>> -> memref<1x128xi32, #tpu.memory_space<vmem>>
        %dma_start3A_233 = tpu.memref_squeeze %dma_start3A_232 : memref<1x128xi32, #tpu.memory_space<vmem>> -> memref<128xi32, #tpu.memory_space<vmem>>
        %dma_start3A_234 = arith.constant 0 : i32
        %dma_start3A_235 = arith.constant 0 : i32
        %dma_start3A_236 = tpu.memref_slice %arg2[%dma_start3A_234, %dma_start3A_235] : memref<50000x128xf32, #tpu.memory_space<hbm>> -> memref<50000x128xf32, #tpu.memory_space<hbm>>
        tpu.enqueue_indirect_dma source(%dma_start3A_236 : memref<50000x128xf32, #tpu.memory_space<hbm>>) target(%dma_start3A_230 : memref<128x128xf32, #tpu.memory_space<vmem>>) offsets(%dma_start3A_233 : memref<128xi32, #tpu.memory_space<vmem>>) semaphore(%arg12 : memref<!tpu.dma_semaphore, #tpu.memory_space<semaphore_mem>>)
      } else {
      }
    }
    %dma_wait3A = arith.constant 0 : i32
    %dma_wait3A_83 = arith.constant 0 : i32
    %dma_wait3A_84 = arith.constant 0 : i32
    %dma_wait3A_85 = arith.constant 0 : i32
    %dma_wait3A_86 = tpu.memref_slice %arg9[%dma_wait3A, %dma_wait3A_84, %dma_wait3A_85] : memref<2x128x128xf32, #tpu.memory_space<vmem>> -> memref<1x128x128xf32, #tpu.memory_space<vmem>>
    %dma_wait3A_87 = tpu.memref_squeeze %dma_wait3A_86 : memref<1x128x128xf32, #tpu.memory_space<vmem>> -> memref<128x128xf32, #tpu.memory_space<vmem>>
    %dma_wait3A_88 = arith.constant 0 : i32
    %dma_wait3A_89 = tpu.memref_slice %arg8[%dma_wait3A_83, %dma_wait3A_88] : memref<2x128xi32, #tpu.memory_space<vmem>> -> memref<1x128xi32, #tpu.memory_space<vmem>>
    %dma_wait3A_90 = tpu.memref_squeeze %dma_wait3A_89 : memref<1x128xi32, #tpu.memory_space<vmem>> -> memref<128xi32, #tpu.memory_space<vmem>>
    %dma_wait3A_91 = arith.constant 0 : i32
    %dma_wait3A_92 = arith.constant 0 : i32
    %dma_wait3A_93 = tpu.memref_slice %arg10[%dma_wait3A_91, %dma_wait3A_92] : memref<10112x128xf32, #tpu.memory_space<vmem_shared>> -> memref<10112x128xf32, #tpu.memory_space<vmem_shared>>
    tpu.wait_indirect_dma semaphore(%arg13 : memref<!tpu.dma_semaphore, #tpu.memory_space<semaphore_mem>>) src(%dma_wait3A_87 : memref<128x128xf32, #tpu.memory_space<vmem>>) dst(%dma_wait3A_93 : memref<10112x128xf32, #tpu.memory_space<vmem_shared>>)
    %dma_wait3A_94 = arith.constant 1 : i32
    %dma_wait3A_95 = arith.constant 1 : i32
    %dma_wait3A_96 = arith.constant 0 : i32
    %dma_wait3A_97 = arith.constant 0 : i32
    %dma_wait3A_98 = tpu.memref_slice %arg9[%dma_wait3A_94, %dma_wait3A_96, %dma_wait3A_97] : memref<2x128x128xf32, #tpu.memory_space<vmem>> -> memref<1x128x128xf32, #tpu.memory_space<vmem>>
    %dma_wait3A_99 = tpu.memref_squeeze %dma_wait3A_98 : memref<1x128x128xf32, #tpu.memory_space<vmem>> -> memref<128x128xf32, #tpu.memory_space<vmem>>
    %dma_wait3A_100 = arith.constant 0 : i32
    %dma_wait3A_101 = tpu.memref_slice %arg8[%dma_wait3A_95, %dma_wait3A_100] : memref<2x128xi32, #tpu.memory_space<vmem>> -> memref<1x128xi32, #tpu.memory_space<vmem>>
    %dma_wait3A_102 = tpu.memref_squeeze %dma_wait3A_101 : memref<1x128xi32, #tpu.memory_space<vmem>> -> memref<128xi32, #tpu.memory_space<vmem>>
    %dma_wait3A_103 = arith.constant 0 : i32
    %dma_wait3A_104 = arith.constant 0 : i32
    %dma_wait3A_105 = tpu.memref_slice %arg10[%dma_wait3A_103, %dma_wait3A_104] : memref<10112x128xf32, #tpu.memory_space<vmem_shared>> -> memref<10112x128xf32, #tpu.memory_space<vmem_shared>>
    tpu.wait_indirect_dma semaphore(%arg14 : memref<!tpu.dma_semaphore, #tpu.memory_space<semaphore_mem>>) src(%dma_wait3A_99 : memref<128x128xf32, #tpu.memory_space<vmem>>) dst(%dma_wait3A_105 : memref<10112x128xf32, #tpu.memory_space<vmem_shared>>)
    %barrier3A_106 = arith.constant 0 : index
    tpu.barrier barrier_id(%barrier3A_106)
    %mul3A_107 = arith.constant 632 : i32
    %mul3A_108 = arith.muli %arg1, %mul3A_107 : i32
    %mul3A_109 = arith.constant 632 : i32
    %mul3A_110 = arith.muli %arg1, %mul3A_109 : i32
    "tpu.region"() ({
      %run_scoped3A = tpu.sem_alloc : memref<!tpu.dma_semaphore, #tpu.memory_space<semaphore_mem>>
      %dma_start3A_111 = arith.constant 0 : i32
      %dma_start3A_112 = tpu.memref_slice %arg6[%arg0, %mul3A_110, %dma_start3A_111] : memref<2x10112x128xf32, #tpu.memory_space<hbm>> -> memref<1x632x128xf32, #tpu.memory_space<hbm>>
      %dma_start3A_113 = tpu.memref_squeeze %dma_start3A_112 : memref<1x632x128xf32, #tpu.memory_space<hbm>> -> memref<632x128xf32, #tpu.memory_space<hbm>>
      %dma_start3A_114 = arith.constant 0 : i32
      %dma_start3A_115 = tpu.memref_slice %arg10[%mul3A_108, %dma_start3A_114] : memref<10112x128xf32, #tpu.memory_space<vmem_shared>> -> memref<632x128xf32, #tpu.memory_space<vmem_shared>>
      tpu.enqueue_dma source(%dma_start3A_115 : memref<632x128xf32, #tpu.memory_space<vmem_shared>>) target(%dma_start3A_113 : memref<632x128xf32, #tpu.memory_space<hbm>>) target_semaphore(%run_scoped3A : memref<!tpu.dma_semaphore, #tpu.memory_space<semaphore_mem>>)
      %dma_wait3A_116 = arith.constant 0 : i32
      %dma_wait3A_117 = tpu.memref_slice %arg6[%arg0, %mul3A_110, %dma_wait3A_116] : memref<2x10112x128xf32, #tpu.memory_space<hbm>> -> memref<1x632x128xf32, #tpu.memory_space<hbm>>
      %dma_wait3A_118 = tpu.memref_squeeze %dma_wait3A_117 : memref<1x632x128xf32, #tpu.memory_space<hbm>> -> memref<632x128xf32, #tpu.memory_space<hbm>>
      %dma_wait3A_119 = arith.constant 0 : i32
      %dma_wait3A_120 = tpu.memref_slice %arg10[%mul3A_108, %dma_wait3A_119] : memref<10112x128xf32, #tpu.memory_space<vmem_shared>> -> memref<632x128xf32, #tpu.memory_space<vmem_shared>>
      tpu.wait_dma2 semaphore(%run_scoped3A : memref<!tpu.dma_semaphore, #tpu.memory_space<semaphore_mem>>) src(%dma_wait3A_120 : memref<632x128xf32, #tpu.memory_space<vmem_shared>>) dst(%dma_wait3A_118 : memref<632x128xf32, #tpu.memory_space<hbm>>)
      tpu.yield
    }) : () -> ()
    return
  }
}

#map = affine_map<(d0, d1) -> (0, 0)>
#map1 = affine_map<(d0, d1) -> (0, 0, 0)>
module attributes {stable_mosaic.version = 14 : i64} {
  func.func @_sc_agg_body(%arg0: i32, %arg1: i32, %arg2: memref<50000x128xf32, #tpu.memory_space<hbm>>, %arg3: memref<32x80x128xi32, #tpu.memory_space<hbm>>, %arg4: memref<32x80x128xi32, #tpu.memory_space<hbm>>, %arg5: memref<632x128xf32, #tpu.memory_space<hbm>>, %arg6: memref<2x10112x128xf32, #tpu.memory_space<hbm>>, %arg7: memref<80x128xi32, #tpu.memory_space<vmem>>, %arg8: memref<2x128xi32, #tpu.memory_space<vmem>>, %arg9: memref<2x128x128xf32, #tpu.memory_space<vmem>>, %arg10: memref<10112x128xf32, #tpu.memory_space<vmem_shared>>, %arg11: memref<!tpu.dma_semaphore, #tpu.memory_space<semaphore_mem>>, %arg12: memref<!tpu.dma_semaphore, #tpu.memory_space<semaphore_mem>>, %arg13: memref<!tpu.dma_semaphore, #tpu.memory_space<semaphore_mem>>, %arg14: memref<!tpu.dma_semaphore, #tpu.memory_space<semaphore_mem>>, %arg15: memref<!tpu.dma_semaphore, #tpu.memory_space<semaphore_mem>>, %arg16: memref<!tpu.dma_semaphore, #tpu.memory_space<semaphore_mem>>) attributes {dimension_semantics = [#tpu.dimension_semantics<core_parallel>, #tpu.dimension_semantics<subcore_parallel>], iteration_bounds = array<i64: 2, 16>, scalar_prefetch = 0 : i64, scratch_operands = 10 : i64, tpu.core_type = #tpu.core_type<sc_vector_subcore>, window_params = [{transform_indices = #map}, {transform_indices = #map1}, {transform_indices = #map1}, {transform_indices = #map}, {transform_indices = #map1}]} {
    %mul3A = arith.constant 2 : i32
    %mul3A_0 = arith.muli %arg1, %mul3A : i32
    %add3A = arith.addi %mul3A_0, %arg0 : i32
    %eq3A = arith.constant 0 : i32
    %eq3A_1 = arith.cmpi eq, %arg0, %eq3A : i32
    %jit3A = arith.constant 80 : i32
    %jit3A_2 = arith.constant 80 : i32
    %select_n3A = arith.select %eq3A_1, %jit3A, %jit3A_2 : i32
    "tpu.region"() ({
      %run_scoped3A = tpu.sem_alloc : memref<!tpu.dma_semaphore, #tpu.memory_space<semaphore_mem>>
      %dma_start3A_111 = arith.constant 0 : i32
      %dma_start3A_112 = arith.constant 0 : i32
      %dma_start3A_113 = tpu.memref_slice %arg3[%add3A, %dma_start3A_111, %dma_start3A_112] : memref<32x80x128xi32, #tpu.memory_space<hbm>> -> memref<1x80x128xi32, #tpu.memory_space<hbm>>
      %dma_start3A_114 = tpu.memref_squeeze %dma_start3A_113 : memref<1x80x128xi32, #tpu.memory_space<hbm>> -> memref<80x128xi32, #tpu.memory_space<hbm>>
      %dma_start3A_115 = arith.constant 0 : i32
      %dma_start3A_116 = arith.constant 0 : i32
      %dma_start3A_117 = tpu.memref_slice %arg3[%add3A, %dma_start3A_115, %dma_start3A_116] : memref<32x80x128xi32, #tpu.memory_space<hbm>> -> memref<1x80x128xi32, #tpu.memory_space<hbm>>
      %dma_start3A_118 = tpu.memref_squeeze %dma_start3A_117 : memref<1x80x128xi32, #tpu.memory_space<hbm>> -> memref<80x128xi32, #tpu.memory_space<hbm>>
      tpu.enqueue_dma source(%dma_start3A_118 : memref<80x128xi32, #tpu.memory_space<hbm>>) target(%arg7 : memref<80x128xi32, #tpu.memory_space<vmem>>) target_semaphore(%run_scoped3A : memref<!tpu.dma_semaphore, #tpu.memory_space<semaphore_mem>>)
      %dma_wait3A_119 = arith.constant 0 : i32
      %dma_wait3A_120 = arith.constant 0 : i32
      %dma_wait3A_121 = tpu.memref_slice %arg3[%add3A, %dma_wait3A_119, %dma_wait3A_120] : memref<32x80x128xi32, #tpu.memory_space<hbm>> -> memref<1x80x128xi32, #tpu.memory_space<hbm>>
      %dma_wait3A_122 = tpu.memref_squeeze %dma_wait3A_121 : memref<1x80x128xi32, #tpu.memory_space<hbm>> -> memref<80x128xi32, #tpu.memory_space<hbm>>
      %dma_wait3A_123 = arith.constant 0 : i32
      %dma_wait3A_124 = arith.constant 0 : i32
      %dma_wait3A_125 = tpu.memref_slice %arg3[%add3A, %dma_wait3A_123, %dma_wait3A_124] : memref<32x80x128xi32, #tpu.memory_space<hbm>> -> memref<1x80x128xi32, #tpu.memory_space<hbm>>
      %dma_wait3A_126 = tpu.memref_squeeze %dma_wait3A_125 : memref<1x80x128xi32, #tpu.memory_space<hbm>> -> memref<80x128xi32, #tpu.memory_space<hbm>>
      tpu.wait_dma2 semaphore(%run_scoped3A : memref<!tpu.dma_semaphore, #tpu.memory_space<semaphore_mem>>) src(%dma_wait3A_126 : memref<80x128xi32, #tpu.memory_space<hbm>>) dst(%arg7 : memref<80x128xi32, #tpu.memory_space<vmem>>)
      tpu.yield
    }) : () -> ()
    %mul3A_3 = arith.constant 632 : i32
    %mul3A_4 = arith.muli %arg1, %mul3A_3 : i32
    "tpu.region"() ({
      %run_scoped3A = tpu.sem_alloc : memref<!tpu.dma_semaphore, #tpu.memory_space<semaphore_mem>>
      %dma_start3A_111 = arith.constant 0 : i32
      %dma_start3A_112 = tpu.memref_slice %arg10[%mul3A_4, %dma_start3A_111] : memref<10112x128xf32, #tpu.memory_space<vmem_shared>> -> memref<632x128xf32, #tpu.memory_space<vmem_shared>>
      tpu.enqueue_dma source(%arg5 : memref<632x128xf32, #tpu.memory_space<hbm>>) target(%dma_start3A_112 : memref<632x128xf32, #tpu.memory_space<vmem_shared>>) target_semaphore(%run_scoped3A : memref<!tpu.dma_semaphore, #tpu.memory_space<semaphore_mem>>)
      %dma_wait3A_113 = arith.constant 0 : i32
      %dma_wait3A_114 = tpu.memref_slice %arg10[%mul3A_4, %dma_wait3A_113] : memref<10112x128xf32, #tpu.memory_space<vmem_shared>> -> memref<632x128xf32, #tpu.memory_space<vmem_shared>>
      tpu.wait_dma2 semaphore(%run_scoped3A : memref<!tpu.dma_semaphore, #tpu.memory_space<semaphore_mem>>) src(%arg5 : memref<632x128xf32, #tpu.memory_space<hbm>>) dst(%dma_wait3A_114 : memref<632x128xf32, #tpu.memory_space<vmem_shared>>)
      tpu.yield
    }) : () -> ()
    %barrier3A = arith.constant 0 : index
    tpu.barrier barrier_id(%barrier3A)
    %dma_start3A = arith.constant 0 : i32
    %dma_start3A_5 = arith.constant 0 : i32
    %dma_start3A_6 = arith.constant 0 : i32
    %dma_start3A_7 = tpu.memref_slice %arg8[%dma_start3A_5, %dma_start3A_6] : memref<2x128xi32, #tpu.memory_space<vmem>> -> memref<1x128xi32, #tpu.memory_space<vmem>>
    %dma_start3A_8 = tpu.memref_squeeze %dma_start3A_7 : memref<1x128xi32, #tpu.memory_space<vmem>> -> memref<128xi32, #tpu.memory_space<vmem>>
    %dma_start3A_9 = arith.constant 0 : i32
    %dma_start3A_10 = tpu.memref_slice %arg4[%add3A, %dma_start3A, %dma_start3A_9] : memref<32x80x128xi32, #tpu.memory_space<hbm>> -> memref<1x1x128xi32, #tpu.memory_space<hbm>>
    %dma_start3A_11 = tpu.memref_squeeze %dma_start3A_10 : memref<1x1x128xi32, #tpu.memory_space<hbm>> -> memref<128xi32, #tpu.memory_space<hbm>>
    %dma_start3A_12 = arith.constant 0 : i32
    %dma_start3A_13 = tpu.memref_slice %arg8[%dma_start3A_5, %dma_start3A_12] : memref<2x128xi32, #tpu.memory_space<vmem>> -> memref<1x128xi32, #tpu.memory_space<vmem>>
    %dma_start3A_14 = tpu.memref_squeeze %dma_start3A_13 : memref<1x128xi32, #tpu.memory_space<vmem>> -> memref<128xi32, #tpu.memory_space<vmem>>
    %dma_start3A_15 = arith.constant 0 : i32
    %dma_start3A_16 = tpu.memref_slice %arg4[%add3A, %dma_start3A, %dma_start3A_15] : memref<32x80x128xi32, #tpu.memory_space<hbm>> -> memref<1x1x128xi32, #tpu.memory_space<hbm>>
    %dma_start3A_17 = tpu.memref_squeeze %dma_start3A_16 : memref<1x1x128xi32, #tpu.memory_space<hbm>> -> memref<128xi32, #tpu.memory_space<hbm>>
    tpu.enqueue_dma source(%dma_start3A_17 : memref<128xi32, #tpu.memory_space<hbm>>) target(%dma_start3A_14 : memref<128xi32, #tpu.memory_space<vmem>>) target_semaphore(%arg15 : memref<!tpu.dma_semaphore, #tpu.memory_space<semaphore_mem>>)
    %dma_start3A_18 = arith.constant 0 : i32
    %dma_start3A_19 = arith.constant 0 : i32
    %dma_start3A_20 = arith.constant 0 : i32
    %dma_start3A_21 = arith.constant 0 : i32
    %dma_start3A_22 = tpu.memref_slice %arg9[%dma_start3A_19, %dma_start3A_20, %dma_start3A_21] : memref<2x128x128xf32, #tpu.memory_space<vmem>> -> memref<1x128x128xf32, #tpu.memory_space<vmem>>
    %dma_start3A_23 = tpu.memref_squeeze %dma_start3A_22 : memref<1x128x128xf32, #tpu.memory_space<vmem>> -> memref<128x128xf32, #tpu.memory_space<vmem>>
    %dma_start3A_24 = arith.constant 0 : i32
    %dma_start3A_25 = tpu.memref_slice %arg7[%dma_start3A_18, %dma_start3A_24] : memref<80x128xi32, #tpu.memory_space<vmem>> -> memref<1x128xi32, #tpu.memory_space<vmem>>
    %dma_start3A_26 = tpu.memref_squeeze %dma_start3A_25 : memref<1x128xi32, #tpu.memory_space<vmem>> -> memref<128xi32, #tpu.memory_space<vmem>>
    %dma_start3A_27 = arith.constant 0 : i32
    %dma_start3A_28 = arith.constant 0 : i32
    %dma_start3A_29 = tpu.memref_slice %arg2[%dma_start3A_27, %dma_start3A_28] : memref<50000x128xf32, #tpu.memory_space<hbm>> -> memref<50000x128xf32, #tpu.memory_space<hbm>>
    tpu.enqueue_indirect_dma source(%dma_start3A_29 : memref<50000x128xf32, #tpu.memory_space<hbm>>) target(%dma_start3A_23 : memref<128x128xf32, #tpu.memory_space<vmem>>) offsets(%dma_start3A_26 : memref<128xi32, #tpu.memory_space<vmem>>) semaphore(%arg11 : memref<!tpu.dma_semaphore, #tpu.memory_space<semaphore_mem>>)
    %dma_start3A_30 = arith.constant 1 : i32
    %dma_start3A_31 = arith.constant 1 : i32
    %dma_start3A_32 = arith.constant 0 : i32
    %dma_start3A_33 = tpu.memref_slice %arg8[%dma_start3A_31, %dma_start3A_32] : memref<2x128xi32, #tpu.memory_space<vmem>> -> memref<1x128xi32, #tpu.memory_space<vmem>>
    %dma_start3A_34 = tpu.memref_squeeze %dma_start3A_33 : memref<1x128xi32, #tpu.memory_space<vmem>> -> memref<128xi32, #tpu.memory_space<vmem>>
    %dma_start3A_35 = arith.constant 0 : i32
    %dma_start3A_36 = tpu.memref_slice %arg4[%add3A, %dma_start3A_30, %dma_start3A_35] : memref<32x80x128xi32, #tpu.memory_space<hbm>> -> memref<1x1x128xi32, #tpu.memory_space<hbm>>
    %dma_start3A_37 = tpu.memref_squeeze %dma_start3A_36 : memref<1x1x128xi32, #tpu.memory_space<hbm>> -> memref<128xi32, #tpu.memory_space<hbm>>
    %dma_start3A_38 = arith.constant 0 : i32
    %dma_start3A_39 = tpu.memref_slice %arg8[%dma_start3A_31, %dma_start3A_38] : memref<2x128xi32, #tpu.memory_space<vmem>> -> memref<1x128xi32, #tpu.memory_space<vmem>>
    %dma_start3A_40 = tpu.memref_squeeze %dma_start3A_39 : memref<1x128xi32, #tpu.memory_space<vmem>> -> memref<128xi32, #tpu.memory_space<vmem>>
    %dma_start3A_41 = arith.constant 0 : i32
    %dma_start3A_42 = tpu.memref_slice %arg4[%add3A, %dma_start3A_30, %dma_start3A_41] : memref<32x80x128xi32, #tpu.memory_space<hbm>> -> memref<1x1x128xi32, #tpu.memory_space<hbm>>
    %dma_start3A_43 = tpu.memref_squeeze %dma_start3A_42 : memref<1x1x128xi32, #tpu.memory_space<hbm>> -> memref<128xi32, #tpu.memory_space<hbm>>
    tpu.enqueue_dma source(%dma_start3A_43 : memref<128xi32, #tpu.memory_space<hbm>>) target(%dma_start3A_40 : memref<128xi32, #tpu.memory_space<vmem>>) target_semaphore(%arg16 : memref<!tpu.dma_semaphore, #tpu.memory_space<semaphore_mem>>)
    %dma_start3A_44 = arith.constant 1 : i32
    %dma_start3A_45 = arith.constant 1 : i32
    %dma_start3A_46 = arith.constant 0 : i32
    %dma_start3A_47 = arith.constant 0 : i32
    %dma_start3A_48 = tpu.memref_slice %arg9[%dma_start3A_45, %dma_start3A_46, %dma_start3A_47] : memref<2x128x128xf32, #tpu.memory_space<vmem>> -> memref<1x128x128xf32, #tpu.memory_space<vmem>>
    %dma_start3A_49 = tpu.memref_squeeze %dma_start3A_48 : memref<1x128x128xf32, #tpu.memory_space<vmem>> -> memref<128x128xf32, #tpu.memory_space<vmem>>
    %dma_start3A_50 = arith.constant 0 : i32
    %dma_start3A_51 = tpu.memref_slice %arg7[%dma_start3A_44, %dma_start3A_50] : memref<80x128xi32, #tpu.memory_space<vmem>> -> memref<1x128xi32, #tpu.memory_space<vmem>>
    %dma_start3A_52 = tpu.memref_squeeze %dma_start3A_51 : memref<1x128xi32, #tpu.memory_space<vmem>> -> memref<128xi32, #tpu.memory_space<vmem>>
    %dma_start3A_53 = arith.constant 0 : i32
    %dma_start3A_54 = arith.constant 0 : i32
    %dma_start3A_55 = tpu.memref_slice %arg2[%dma_start3A_53, %dma_start3A_54] : memref<50000x128xf32, #tpu.memory_space<hbm>> -> memref<50000x128xf32, #tpu.memory_space<hbm>>
    tpu.enqueue_indirect_dma source(%dma_start3A_55 : memref<50000x128xf32, #tpu.memory_space<hbm>>) target(%dma_start3A_49 : memref<128x128xf32, #tpu.memory_space<vmem>>) offsets(%dma_start3A_52 : memref<128xi32, #tpu.memory_space<vmem>>) semaphore(%arg12 : memref<!tpu.dma_semaphore, #tpu.memory_space<semaphore_mem>>)
    %jit3A_56 = arith.constant 2 : i32
    %div3A = arith.divsi %select_n3A, %jit3A_56 : i32
    %sign3A = arith.constant 0 : i32
    %sign3A_57 = arith.cmpi sgt, %select_n3A, %sign3A : i32
    %sign3A_58 = arith.extui %sign3A_57 : i1 to i32
    %sign3A_59 = arith.constant 0 : i32
    %sign3A_60 = arith.cmpi slt, %select_n3A, %sign3A_59 : i32
    %sign3A_61 = arith.extui %sign3A_60 : i1 to i32
    %sign3A_62 = arith.subi %sign3A_58, %sign3A_61 : i32
    %sign3A_63 = arith.constant 0 : i32
    %sign3A_64 = arith.cmpi sgt, %jit3A_56, %sign3A_63 : i32
    %sign3A_65 = arith.extui %sign3A_64 : i1 to i32
    %sign3A_66 = arith.constant 0 : i32
    %sign3A_67 = arith.cmpi slt, %jit3A_56, %sign3A_66 : i32
    %sign3A_68 = arith.extui %sign3A_67 : i1 to i32
    %sign3A_69 = arith.subi %sign3A_65, %sign3A_68 : i32
    %ne3A = arith.cmpi ne, %sign3A_62, %sign3A_69 : i32
    %rem3A = arith.remsi %select_n3A, %jit3A_56 : i32
    %ne3A_70 = arith.constant 0 : i32
    %ne3A_71 = arith.cmpi ne, %rem3A, %ne3A_70 : i32
    %and3A = arith.andi %ne3A, %ne3A_71 : i1
    %sub3A = arith.constant 1 : i32
    %sub3A_72 = arith.subi %div3A, %sub3A : i32
    %select_n3A_73 = arith.select %and3A, %sub3A_72, %div3A : i32
    %while3A = arith.constant 0 : i32
    %while3A_74 = arith.constant 0 : i32
    %while3A_75 = arith.subi %select_n3A_73, %while3A_74 : i32
    %while3A_76 = arith.addi %while3A_74, %while3A_75 : i32
    %while3A_77 = arith.constant 1 : i32
    %while3A_78 = arith.divsi %while3A_75, %while3A_77 : i32
    %while3A_79 = arith.muli %while3A_78, %while3A_77 : i32
    %while3A_80 = arith.addi %while3A_74, %while3A_79 : i32
    %while3A_81 = arith.constant 1 : i32
    scf.for %while3A_111 = %while3A_74 to %while3A_80 step %while3A_81  : i32 {
      %mul3A_112 = arith.constant 2 : i32
      %mul3A_113 = arith.muli %while3A_111, %mul3A_112 : i32
      %add3A_114 = arith.constant 0 : i32
      %add3A_115 = arith.addi %mul3A_113, %add3A_114 : i32
      %dma_wait3A_116 = arith.constant 0 : i32
      %dma_wait3A_117 = arith.constant 0 : i32
      %dma_wait3A_118 = arith.constant 0 : i32
      %dma_wait3A_119 = tpu.memref_slice %arg9[%dma_wait3A_116, %dma_wait3A_117, %dma_wait3A_118] : memref<2x128x128xf32, #tpu.memory_space<vmem>> -> memref<1x128x128xf32, #tpu.memory_space<vmem>>
      %dma_wait3A_120 = tpu.memref_squeeze %dma_wait3A_119 : memref<1x128x128xf32, #tpu.memory_space<vmem>> -> memref<128x128xf32, #tpu.memory_space<vmem>>
      %dma_wait3A_121 = arith.constant 0 : i32
      %dma_wait3A_122 = tpu.memref_slice %arg7[%add3A_115, %dma_wait3A_121] : memref<80x128xi32, #tpu.memory_space<vmem>> -> memref<1x128xi32, #tpu.memory_space<vmem>>
      %dma_wait3A_123 = tpu.memref_squeeze %dma_wait3A_122 : memref<1x128xi32, #tpu.memory_space<vmem>> -> memref<128xi32, #tpu.memory_space<vmem>>
      %dma_wait3A_124 = arith.constant 0 : i32
      %dma_wait3A_125 = arith.constant 0 : i32
      %dma_wait3A_126 = tpu.memref_slice %arg2[%dma_wait3A_124, %dma_wait3A_125] : memref<50000x128xf32, #tpu.memory_space<hbm>> -> memref<50000x128xf32, #tpu.memory_space<hbm>>
      tpu.wait_indirect_dma semaphore(%arg11 : memref<!tpu.dma_semaphore, #tpu.memory_space<semaphore_mem>>) src(%dma_wait3A_126 : memref<50000x128xf32, #tpu.memory_space<hbm>>) dst(%dma_wait3A_120 : memref<128x128xf32, #tpu.memory_space<vmem>>)
      %dma_wait3A_127 = arith.constant 0 : i32
      %dma_wait3A_128 = arith.constant 0 : i32
      %dma_wait3A_129 = tpu.memref_slice %arg8[%dma_wait3A_127, %dma_wait3A_128] : memref<2x128xi32, #tpu.memory_space<vmem>> -> memref<1x128xi32, #tpu.memory_space<vmem>>
      %dma_wait3A_130 = tpu.memref_squeeze %dma_wait3A_129 : memref<1x128xi32, #tpu.memory_space<vmem>> -> memref<128xi32, #tpu.memory_space<vmem>>
      %dma_wait3A_131 = arith.constant 0 : i32
      %dma_wait3A_132 = tpu.memref_slice %arg4[%add3A, %add3A_115, %dma_wait3A_131] : memref<32x80x128xi32, #tpu.memory_space<hbm>> -> memref<1x1x128xi32, #tpu.memory_space<hbm>>
      %dma_wait3A_133 = tpu.memref_squeeze %dma_wait3A_132 : memref<1x1x128xi32, #tpu.memory_space<hbm>> -> memref<128xi32, #tpu.memory_space<hbm>>
      %dma_wait3A_134 = arith.constant 0 : i32
      %dma_wait3A_135 = tpu.memref_slice %arg8[%dma_wait3A_127, %dma_wait3A_134] : memref<2x128xi32, #tpu.memory_space<vmem>> -> memref<1x128xi32, #tpu.memory_space<vmem>>
      %dma_wait3A_136 = tpu.memref_squeeze %dma_wait3A_135 : memref<1x128xi32, #tpu.memory_space<vmem>> -> memref<128xi32, #tpu.memory_space<vmem>>
      %dma_wait3A_137 = arith.constant 0 : i32
      %dma_wait3A_138 = tpu.memref_slice %arg4[%add3A, %add3A_115, %dma_wait3A_137] : memref<32x80x128xi32, #tpu.memory_space<hbm>> -> memref<1x1x128xi32, #tpu.memory_space<hbm>>
      %dma_wait3A_139 = tpu.memref_squeeze %dma_wait3A_138 : memref<1x1x128xi32, #tpu.memory_space<hbm>> -> memref<128xi32, #tpu.memory_space<hbm>>
      tpu.wait_dma2 semaphore(%arg15 : memref<!tpu.dma_semaphore, #tpu.memory_space<semaphore_mem>>) src(%dma_wait3A_139 : memref<128xi32, #tpu.memory_space<hbm>>) dst(%dma_wait3A_136 : memref<128xi32, #tpu.memory_space<vmem>>)
      %dma_start3A_140 = arith.constant 0 : i32
      %dma_start3A_141 = arith.constant 0 : i32
      %dma_start3A_142 = arith.constant 0 : i32
      %dma_start3A_143 = arith.constant 0 : i32
      %dma_start3A_144 = tpu.memref_slice %arg9[%dma_start3A_140, %dma_start3A_142, %dma_start3A_143] : memref<2x128x128xf32, #tpu.memory_space<vmem>> -> memref<1x128x128xf32, #tpu.memory_space<vmem>>
      %dma_start3A_145 = tpu.memref_squeeze %dma_start3A_144 : memref<1x128x128xf32, #tpu.memory_space<vmem>> -> memref<128x128xf32, #tpu.memory_space<vmem>>
      %dma_start3A_146 = arith.constant 0 : i32
      %dma_start3A_147 = tpu.memref_slice %arg8[%dma_start3A_141, %dma_start3A_146] : memref<2x128xi32, #tpu.memory_space<vmem>> -> memref<1x128xi32, #tpu.memory_space<vmem>>
      %dma_start3A_148 = tpu.memref_squeeze %dma_start3A_147 : memref<1x128xi32, #tpu.memory_space<vmem>> -> memref<128xi32, #tpu.memory_space<vmem>>
      %dma_start3A_149 = arith.constant 0 : i32
      %dma_start3A_150 = arith.constant 0 : i32
      %dma_start3A_151 = tpu.memref_slice %arg10[%dma_start3A_149, %dma_start3A_150] : memref<10112x128xf32, #tpu.memory_space<vmem_shared>> -> memref<10112x128xf32, #tpu.memory_space<vmem_shared>>
      tpu.enqueue_indirect_dma source(%dma_start3A_145 : memref<128x128xf32, #tpu.memory_space<vmem>>) target(%dma_start3A_151 : memref<10112x128xf32, #tpu.memory_space<vmem_shared>>) offsets(%dma_start3A_148 : memref<128xi32, #tpu.memory_space<vmem>>) semaphore(%arg13 : memref<!tpu.dma_semaphore, #tpu.memory_space<semaphore_mem>>) {add = true}
      %add3A_152 = arith.constant 2 : i32
      %add3A_153 = arith.addi %add3A_115, %add3A_152 : i32
      %lt3A = arith.cmpi slt, %add3A_153, %select_n3A : i32
      %convert_element_type3A = arith.extui %lt3A : i1 to i32
      %cond3A = arith.constant 0 : i32
      %cond3A_154 = arith.cmpi ne, %convert_element_type3A, %cond3A : i32
      scf.if %cond3A_154 {
        %dma_wait3A_201 = arith.constant 0 : i32
        %dma_wait3A_202 = arith.constant 0 : i32
        %dma_wait3A_203 = arith.constant 0 : i32
        %dma_wait3A_204 = arith.constant 0 : i32
        %dma_wait3A_205 = tpu.memref_slice %arg9[%dma_wait3A_201, %dma_wait3A_203, %dma_wait3A_204] : memref<2x128x128xf32, #tpu.memory_space<vmem>> -> memref<1x128x128xf32, #tpu.memory_space<vmem>>
        %dma_wait3A_206 = tpu.memref_squeeze %dma_wait3A_205 : memref<1x128x128xf32, #tpu.memory_space<vmem>> -> memref<128x128xf32, #tpu.memory_space<vmem>>
        %dma_wait3A_207 = arith.constant 0 : i32
        %dma_wait3A_208 = tpu.memref_slice %arg8[%dma_wait3A_202, %dma_wait3A_207] : memref<2x128xi32, #tpu.memory_space<vmem>> -> memref<1x128xi32, #tpu.memory_space<vmem>>
        %dma_wait3A_209 = tpu.memref_squeeze %dma_wait3A_208 : memref<1x128xi32, #tpu.memory_space<vmem>> -> memref<128xi32, #tpu.memory_space<vmem>>
        %dma_wait3A_210 = arith.constant 0 : i32
        %dma_wait3A_211 = arith.constant 0 : i32
        %dma_wait3A_212 = tpu.memref_slice %arg10[%dma_wait3A_210, %dma_wait3A_211] : memref<10112x128xf32, #tpu.memory_space<vmem_shared>> -> memref<10112x128xf32, #tpu.memory_space<vmem_shared>>
        tpu.wait_indirect_dma semaphore(%arg13 : memref<!tpu.dma_semaphore, #tpu.memory_space<semaphore_mem>>) src(%dma_wait3A_206 : memref<128x128xf32, #tpu.memory_space<vmem>>) dst(%dma_wait3A_212 : memref<10112x128xf32, #tpu.memory_space<vmem_shared>>)
        %dma_start3A_213 = arith.constant 0 : i32
        %dma_start3A_214 = arith.constant 0 : i32
        %dma_start3A_215 = tpu.memref_slice %arg8[%dma_start3A_213, %dma_start3A_214] : memref<2x128xi32, #tpu.memory_space<vmem>> -> memref<1x128xi32, #tpu.memory_space<vmem>>
        %dma_start3A_216 = tpu.memref_squeeze %dma_start3A_215 : memref<1x128xi32, #tpu.memory_space<vmem>> -> memref<128xi32, #tpu.memory_space<vmem>>
        %dma_start3A_217 = arith.constant 0 : i32
        %dma_start3A_218 = tpu.memref_slice %arg4[%add3A, %add3A_153, %dma_start3A_217] : memref<32x80x128xi32, #tpu.memory_space<hbm>> -> memref<1x1x128xi32, #tpu.memory_space<hbm>>
        %dma_start3A_219 = tpu.memref_squeeze %dma_start3A_218 : memref<1x1x128xi32, #tpu.memory_space<hbm>> -> memref<128xi32, #tpu.memory_space<hbm>>
        %dma_start3A_220 = arith.constant 0 : i32
        %dma_start3A_221 = tpu.memref_slice %arg8[%dma_start3A_213, %dma_start3A_220] : memref<2x128xi32, #tpu.memory_space<vmem>> -> memref<1x128xi32, #tpu.memory_space<vmem>>
        %dma_start3A_222 = tpu.memref_squeeze %dma_start3A_221 : memref<1x128xi32, #tpu.memory_space<vmem>> -> memref<128xi32, #tpu.memory_space<vmem>>
        %dma_start3A_223 = arith.constant 0 : i32
        %dma_start3A_224 = tpu.memref_slice %arg4[%add3A, %add3A_153, %dma_start3A_223] : memref<32x80x128xi32, #tpu.memory_space<hbm>> -> memref<1x1x128xi32, #tpu.memory_space<hbm>>
        %dma_start3A_225 = tpu.memref_squeeze %dma_start3A_224 : memref<1x1x128xi32, #tpu.memory_space<hbm>> -> memref<128xi32, #tpu.memory_space<hbm>>
        tpu.enqueue_dma source(%dma_start3A_225 : memref<128xi32, #tpu.memory_space<hbm>>) target(%dma_start3A_222 : memref<128xi32, #tpu.memory_space<vmem>>) target_semaphore(%arg15 : memref<!tpu.dma_semaphore, #tpu.memory_space<semaphore_mem>>)
        %dma_start3A_226 = arith.constant 0 : i32
        %dma_start3A_227 = arith.constant 0 : i32
        %dma_start3A_228 = arith.constant 0 : i32
        %dma_start3A_229 = tpu.memref_slice %arg9[%dma_start3A_226, %dma_start3A_227, %dma_start3A_228] : memref<2x128x128xf32, #tpu.memory_space<vmem>> -> memref<1x128x128xf32, #tpu.memory_space<vmem>>
        %dma_start3A_230 = tpu.memref_squeeze %dma_start3A_229 : memref<1x128x128xf32, #tpu.memory_space<vmem>> -> memref<128x128xf32, #tpu.memory_space<vmem>>
        %dma_start3A_231 = arith.constant 0 : i32
        %dma_start3A_232 = tpu.memref_slice %arg7[%add3A_153, %dma_start3A_231] : memref<80x128xi32, #tpu.memory_space<vmem>> -> memref<1x128xi32, #tpu.memory_space<vmem>>
        %dma_start3A_233 = tpu.memref_squeeze %dma_start3A_232 : memref<1x128xi32, #tpu.memory_space<vmem>> -> memref<128xi32, #tpu.memory_space<vmem>>
        %dma_start3A_234 = arith.constant 0 : i32
        %dma_start3A_235 = arith.constant 0 : i32
        %dma_start3A_236 = tpu.memref_slice %arg2[%dma_start3A_234, %dma_start3A_235] : memref<50000x128xf32, #tpu.memory_space<hbm>> -> memref<50000x128xf32, #tpu.memory_space<hbm>>
        tpu.enqueue_indirect_dma source(%dma_start3A_236 : memref<50000x128xf32, #tpu.memory_space<hbm>>) target(%dma_start3A_230 : memref<128x128xf32, #tpu.memory_space<vmem>>) offsets(%dma_start3A_233 : memref<128xi32, #tpu.memory_space<vmem>>) semaphore(%arg11 : memref<!tpu.dma_semaphore, #tpu.memory_space<semaphore_mem>>)
      } else {
      }
      %mul3A_155 = arith.constant 2 : i32
      %mul3A_156 = arith.muli %while3A_111, %mul3A_155 : i32
      %add3A_157 = arith.constant 1 : i32
      %add3A_158 = arith.addi %mul3A_156, %add3A_157 : i32
      %dma_wait3A_159 = arith.constant 1 : i32
      %dma_wait3A_160 = arith.constant 0 : i32
      %dma_wait3A_161 = arith.constant 0 : i32
      %dma_wait3A_162 = tpu.memref_slice %arg9[%dma_wait3A_159, %dma_wait3A_160, %dma_wait3A_161] : memref<2x128x128xf32, #tpu.memory_space<vmem>> -> memref<1x128x128xf32, #tpu.memory_space<vmem>>
      %dma_wait3A_163 = tpu.memref_squeeze %dma_wait3A_162 : memref<1x128x128xf32, #tpu.memory_space<vmem>> -> memref<128x128xf32, #tpu.memory_space<vmem>>
      %dma_wait3A_164 = arith.constant 0 : i32
      %dma_wait3A_165 = tpu.memref_slice %arg7[%add3A_158, %dma_wait3A_164] : memref<80x128xi32, #tpu.memory_space<vmem>> -> memref<1x128xi32, #tpu.memory_space<vmem>>
      %dma_wait3A_166 = tpu.memref_squeeze %dma_wait3A_165 : memref<1x128xi32, #tpu.memory_space<vmem>> -> memref<128xi32, #tpu.memory_space<vmem>>
      %dma_wait3A_167 = arith.constant 0 : i32
      %dma_wait3A_168 = arith.constant 0 : i32
      %dma_wait3A_169 = tpu.memref_slice %arg2[%dma_wait3A_167, %dma_wait3A_168] : memref<50000x128xf32, #tpu.memory_space<hbm>> -> memref<50000x128xf32, #tpu.memory_space<hbm>>
      tpu.wait_indirect_dma semaphore(%arg12 : memref<!tpu.dma_semaphore, #tpu.memory_space<semaphore_mem>>) src(%dma_wait3A_169 : memref<50000x128xf32, #tpu.memory_space<hbm>>) dst(%dma_wait3A_163 : memref<128x128xf32, #tpu.memory_space<vmem>>)
      %dma_wait3A_170 = arith.constant 1 : i32
      %dma_wait3A_171 = arith.constant 0 : i32
      %dma_wait3A_172 = tpu.memref_slice %arg8[%dma_wait3A_170, %dma_wait3A_171] : memref<2x128xi32, #tpu.memory_space<vmem>> -> memref<1x128xi32, #tpu.memory_space<vmem>>
      %dma_wait3A_173 = tpu.memref_squeeze %dma_wait3A_172 : memref<1x128xi32, #tpu.memory_space<vmem>> -> memref<128xi32, #tpu.memory_space<vmem>>
      %dma_wait3A_174 = arith.constant 0 : i32
      %dma_wait3A_175 = tpu.memref_slice %arg4[%add3A, %add3A_158, %dma_wait3A_174] : memref<32x80x128xi32, #tpu.memory_space<hbm>> -> memref<1x1x128xi32, #tpu.memory_space<hbm>>
      %dma_wait3A_176 = tpu.memref_squeeze %dma_wait3A_175 : memref<1x1x128xi32, #tpu.memory_space<hbm>> -> memref<128xi32, #tpu.memory_space<hbm>>
      %dma_wait3A_177 = arith.constant 0 : i32
      %dma_wait3A_178 = tpu.memref_slice %arg8[%dma_wait3A_170, %dma_wait3A_177] : memref<2x128xi32, #tpu.memory_space<vmem>> -> memref<1x128xi32, #tpu.memory_space<vmem>>
      %dma_wait3A_179 = tpu.memref_squeeze %dma_wait3A_178 : memref<1x128xi32, #tpu.memory_space<vmem>> -> memref<128xi32, #tpu.memory_space<vmem>>
      %dma_wait3A_180 = arith.constant 0 : i32
      %dma_wait3A_181 = tpu.memref_slice %arg4[%add3A, %add3A_158, %dma_wait3A_180] : memref<32x80x128xi32, #tpu.memory_space<hbm>> -> memref<1x1x128xi32, #tpu.memory_space<hbm>>
      %dma_wait3A_182 = tpu.memref_squeeze %dma_wait3A_181 : memref<1x1x128xi32, #tpu.memory_space<hbm>> -> memref<128xi32, #tpu.memory_space<hbm>>
      tpu.wait_dma2 semaphore(%arg16 : memref<!tpu.dma_semaphore, #tpu.memory_space<semaphore_mem>>) src(%dma_wait3A_182 : memref<128xi32, #tpu.memory_space<hbm>>) dst(%dma_wait3A_179 : memref<128xi32, #tpu.memory_space<vmem>>)
      %dma_start3A_183 = arith.constant 1 : i32
      %dma_start3A_184 = arith.constant 1 : i32
      %dma_start3A_185 = arith.constant 0 : i32
      %dma_start3A_186 = arith.constant 0 : i32
      %dma_start3A_187 = tpu.memref_slice %arg9[%dma_start3A_183, %dma_start3A_185, %dma_start3A_186] : memref<2x128x128xf32, #tpu.memory_space<vmem>> -> memref<1x128x128xf32, #tpu.memory_space<vmem>>
      %dma_start3A_188 = tpu.memref_squeeze %dma_start3A_187 : memref<1x128x128xf32, #tpu.memory_space<vmem>> -> memref<128x128xf32, #tpu.memory_space<vmem>>
      %dma_start3A_189 = arith.constant 0 : i32
      %dma_start3A_190 = tpu.memref_slice %arg8[%dma_start3A_184, %dma_start3A_189] : memref<2x128xi32, #tpu.memory_space<vmem>> -> memref<1x128xi32, #tpu.memory_space<vmem>>
      %dma_start3A_191 = tpu.memref_squeeze %dma_start3A_190 : memref<1x128xi32, #tpu.memory_space<vmem>> -> memref<128xi32, #tpu.memory_space<vmem>>
      %dma_start3A_192 = arith.constant 0 : i32
      %dma_start3A_193 = arith.constant 0 : i32
      %dma_start3A_194 = tpu.memref_slice %arg10[%dma_start3A_192, %dma_start3A_193] : memref<10112x128xf32, #tpu.memory_space<vmem_shared>> -> memref<10112x128xf32, #tpu.memory_space<vmem_shared>>
      tpu.enqueue_indirect_dma source(%dma_start3A_188 : memref<128x128xf32, #tpu.memory_space<vmem>>) target(%dma_start3A_194 : memref<10112x128xf32, #tpu.memory_space<vmem_shared>>) offsets(%dma_start3A_191 : memref<128xi32, #tpu.memory_space<vmem>>) semaphore(%arg14 : memref<!tpu.dma_semaphore, #tpu.memory_space<semaphore_mem>>) {add = true}
      %add3A_195 = arith.constant 2 : i32
      %add3A_196 = arith.addi %add3A_158, %add3A_195 : i32
      %lt3A_197 = arith.cmpi slt, %add3A_196, %select_n3A : i32
      %convert_element_type3A_198 = arith.extui %lt3A_197 : i1 to i32
      %cond3A_199 = arith.constant 0 : i32
      %cond3A_200 = arith.cmpi ne, %convert_element_type3A_198, %cond3A_199 : i32
      scf.if %cond3A_200 {
        %dma_wait3A_201 = arith.constant 1 : i32
        %dma_wait3A_202 = arith.constant 1 : i32
        %dma_wait3A_203 = arith.constant 0 : i32
        %dma_wait3A_204 = arith.constant 0 : i32
        %dma_wait3A_205 = tpu.memref_slice %arg9[%dma_wait3A_201, %dma_wait3A_203, %dma_wait3A_204] : memref<2x128x128xf32, #tpu.memory_space<vmem>> -> memref<1x128x128xf32, #tpu.memory_space<vmem>>
        %dma_wait3A_206 = tpu.memref_squeeze %dma_wait3A_205 : memref<1x128x128xf32, #tpu.memory_space<vmem>> -> memref<128x128xf32, #tpu.memory_space<vmem>>
        %dma_wait3A_207 = arith.constant 0 : i32
        %dma_wait3A_208 = tpu.memref_slice %arg8[%dma_wait3A_202, %dma_wait3A_207] : memref<2x128xi32, #tpu.memory_space<vmem>> -> memref<1x128xi32, #tpu.memory_space<vmem>>
        %dma_wait3A_209 = tpu.memref_squeeze %dma_wait3A_208 : memref<1x128xi32, #tpu.memory_space<vmem>> -> memref<128xi32, #tpu.memory_space<vmem>>
        %dma_wait3A_210 = arith.constant 0 : i32
        %dma_wait3A_211 = arith.constant 0 : i32
        %dma_wait3A_212 = tpu.memref_slice %arg10[%dma_wait3A_210, %dma_wait3A_211] : memref<10112x128xf32, #tpu.memory_space<vmem_shared>> -> memref<10112x128xf32, #tpu.memory_space<vmem_shared>>
        tpu.wait_indirect_dma semaphore(%arg14 : memref<!tpu.dma_semaphore, #tpu.memory_space<semaphore_mem>>) src(%dma_wait3A_206 : memref<128x128xf32, #tpu.memory_space<vmem>>) dst(%dma_wait3A_212 : memref<10112x128xf32, #tpu.memory_space<vmem_shared>>)
        %dma_start3A_213 = arith.constant 1 : i32
        %dma_start3A_214 = arith.constant 0 : i32
        %dma_start3A_215 = tpu.memref_slice %arg8[%dma_start3A_213, %dma_start3A_214] : memref<2x128xi32, #tpu.memory_space<vmem>> -> memref<1x128xi32, #tpu.memory_space<vmem>>
        %dma_start3A_216 = tpu.memref_squeeze %dma_start3A_215 : memref<1x128xi32, #tpu.memory_space<vmem>> -> memref<128xi32, #tpu.memory_space<vmem>>
        %dma_start3A_217 = arith.constant 0 : i32
        %dma_start3A_218 = tpu.memref_slice %arg4[%add3A, %add3A_196, %dma_start3A_217] : memref<32x80x128xi32, #tpu.memory_space<hbm>> -> memref<1x1x128xi32, #tpu.memory_space<hbm>>
        %dma_start3A_219 = tpu.memref_squeeze %dma_start3A_218 : memref<1x1x128xi32, #tpu.memory_space<hbm>> -> memref<128xi32, #tpu.memory_space<hbm>>
        %dma_start3A_220 = arith.constant 0 : i32
        %dma_start3A_221 = tpu.memref_slice %arg8[%dma_start3A_213, %dma_start3A_220] : memref<2x128xi32, #tpu.memory_space<vmem>> -> memref<1x128xi32, #tpu.memory_space<vmem>>
        %dma_start3A_222 = tpu.memref_squeeze %dma_start3A_221 : memref<1x128xi32, #tpu.memory_space<vmem>> -> memref<128xi32, #tpu.memory_space<vmem>>
        %dma_start3A_223 = arith.constant 0 : i32
        %dma_start3A_224 = tpu.memref_slice %arg4[%add3A, %add3A_196, %dma_start3A_223] : memref<32x80x128xi32, #tpu.memory_space<hbm>> -> memref<1x1x128xi32, #tpu.memory_space<hbm>>
        %dma_start3A_225 = tpu.memref_squeeze %dma_start3A_224 : memref<1x1x128xi32, #tpu.memory_space<hbm>> -> memref<128xi32, #tpu.memory_space<hbm>>
        tpu.enqueue_dma source(%dma_start3A_225 : memref<128xi32, #tpu.memory_space<hbm>>) target(%dma_start3A_222 : memref<128xi32, #tpu.memory_space<vmem>>) target_semaphore(%arg16 : memref<!tpu.dma_semaphore, #tpu.memory_space<semaphore_mem>>)
        %dma_start3A_226 = arith.constant 1 : i32
        %dma_start3A_227 = arith.constant 0 : i32
        %dma_start3A_228 = arith.constant 0 : i32
        %dma_start3A_229 = tpu.memref_slice %arg9[%dma_start3A_226, %dma_start3A_227, %dma_start3A_228] : memref<2x128x128xf32, #tpu.memory_space<vmem>> -> memref<1x128x128xf32, #tpu.memory_space<vmem>>
        %dma_start3A_230 = tpu.memref_squeeze %dma_start3A_229 : memref<1x128x128xf32, #tpu.memory_space<vmem>> -> memref<128x128xf32, #tpu.memory_space<vmem>>
        %dma_start3A_231 = arith.constant 0 : i32
        %dma_start3A_232 = tpu.memref_slice %arg7[%add3A_196, %dma_start3A_231] : memref<80x128xi32, #tpu.memory_space<vmem>> -> memref<1x128xi32, #tpu.memory_space<vmem>>
        %dma_start3A_233 = tpu.memref_squeeze %dma_start3A_232 : memref<1x128xi32, #tpu.memory_space<vmem>> -> memref<128xi32, #tpu.memory_space<vmem>>
        %dma_start3A_234 = arith.constant 0 : i32
        %dma_start3A_235 = arith.constant 0 : i32
        %dma_start3A_236 = tpu.memref_slice %arg2[%dma_start3A_234, %dma_start3A_235] : memref<50000x128xf32, #tpu.memory_space<hbm>> -> memref<50000x128xf32, #tpu.memory_space<hbm>>
        tpu.enqueue_indirect_dma source(%dma_start3A_236 : memref<50000x128xf32, #tpu.memory_space<hbm>>) target(%dma_start3A_230 : memref<128x128xf32, #tpu.memory_space<vmem>>) offsets(%dma_start3A_233 : memref<128xi32, #tpu.memory_space<vmem>>) semaphore(%arg12 : memref<!tpu.dma_semaphore, #tpu.memory_space<semaphore_mem>>)
      } else {
      }
    }
    %while3A_82 = arith.constant 1 : i32
    scf.for %while3A_111 = %while3A_80 to %while3A_76 step %while3A_82  : i32 {
      %mul3A_112 = arith.constant 2 : i32
      %mul3A_113 = arith.muli %while3A_111, %mul3A_112 : i32
      %add3A_114 = arith.constant 0 : i32
      %add3A_115 = arith.addi %mul3A_113, %add3A_114 : i32
      %dma_wait3A_116 = arith.constant 0 : i32
      %dma_wait3A_117 = arith.constant 0 : i32
      %dma_wait3A_118 = arith.constant 0 : i32
      %dma_wait3A_119 = tpu.memref_slice %arg9[%dma_wait3A_116, %dma_wait3A_117, %dma_wait3A_118] : memref<2x128x128xf32, #tpu.memory_space<vmem>> -> memref<1x128x128xf32, #tpu.memory_space<vmem>>
      %dma_wait3A_120 = tpu.memref_squeeze %dma_wait3A_119 : memref<1x128x128xf32, #tpu.memory_space<vmem>> -> memref<128x128xf32, #tpu.memory_space<vmem>>
      %dma_wait3A_121 = arith.constant 0 : i32
      %dma_wait3A_122 = tpu.memref_slice %arg7[%add3A_115, %dma_wait3A_121] : memref<80x128xi32, #tpu.memory_space<vmem>> -> memref<1x128xi32, #tpu.memory_space<vmem>>
      %dma_wait3A_123 = tpu.memref_squeeze %dma_wait3A_122 : memref<1x128xi32, #tpu.memory_space<vmem>> -> memref<128xi32, #tpu.memory_space<vmem>>
      %dma_wait3A_124 = arith.constant 0 : i32
      %dma_wait3A_125 = arith.constant 0 : i32
      %dma_wait3A_126 = tpu.memref_slice %arg2[%dma_wait3A_124, %dma_wait3A_125] : memref<50000x128xf32, #tpu.memory_space<hbm>> -> memref<50000x128xf32, #tpu.memory_space<hbm>>
      tpu.wait_indirect_dma semaphore(%arg11 : memref<!tpu.dma_semaphore, #tpu.memory_space<semaphore_mem>>) src(%dma_wait3A_126 : memref<50000x128xf32, #tpu.memory_space<hbm>>) dst(%dma_wait3A_120 : memref<128x128xf32, #tpu.memory_space<vmem>>)
      %dma_wait3A_127 = arith.constant 0 : i32
      %dma_wait3A_128 = arith.constant 0 : i32
      %dma_wait3A_129 = tpu.memref_slice %arg8[%dma_wait3A_127, %dma_wait3A_128] : memref<2x128xi32, #tpu.memory_space<vmem>> -> memref<1x128xi32, #tpu.memory_space<vmem>>
      %dma_wait3A_130 = tpu.memref_squeeze %dma_wait3A_129 : memref<1x128xi32, #tpu.memory_space<vmem>> -> memref<128xi32, #tpu.memory_space<vmem>>
      %dma_wait3A_131 = arith.constant 0 : i32
      %dma_wait3A_132 = tpu.memref_slice %arg4[%add3A, %add3A_115, %dma_wait3A_131] : memref<32x80x128xi32, #tpu.memory_space<hbm>> -> memref<1x1x128xi32, #tpu.memory_space<hbm>>
      %dma_wait3A_133 = tpu.memref_squeeze %dma_wait3A_132 : memref<1x1x128xi32, #tpu.memory_space<hbm>> -> memref<128xi32, #tpu.memory_space<hbm>>
      %dma_wait3A_134 = arith.constant 0 : i32
      %dma_wait3A_135 = tpu.memref_slice %arg8[%dma_wait3A_127, %dma_wait3A_134] : memref<2x128xi32, #tpu.memory_space<vmem>> -> memref<1x128xi32, #tpu.memory_space<vmem>>
      %dma_wait3A_136 = tpu.memref_squeeze %dma_wait3A_135 : memref<1x128xi32, #tpu.memory_space<vmem>> -> memref<128xi32, #tpu.memory_space<vmem>>
      %dma_wait3A_137 = arith.constant 0 : i32
      %dma_wait3A_138 = tpu.memref_slice %arg4[%add3A, %add3A_115, %dma_wait3A_137] : memref<32x80x128xi32, #tpu.memory_space<hbm>> -> memref<1x1x128xi32, #tpu.memory_space<hbm>>
      %dma_wait3A_139 = tpu.memref_squeeze %dma_wait3A_138 : memref<1x1x128xi32, #tpu.memory_space<hbm>> -> memref<128xi32, #tpu.memory_space<hbm>>
      tpu.wait_dma2 semaphore(%arg15 : memref<!tpu.dma_semaphore, #tpu.memory_space<semaphore_mem>>) src(%dma_wait3A_139 : memref<128xi32, #tpu.memory_space<hbm>>) dst(%dma_wait3A_136 : memref<128xi32, #tpu.memory_space<vmem>>)
      %dma_start3A_140 = arith.constant 0 : i32
      %dma_start3A_141 = arith.constant 0 : i32
      %dma_start3A_142 = arith.constant 0 : i32
      %dma_start3A_143 = arith.constant 0 : i32
      %dma_start3A_144 = tpu.memref_slice %arg9[%dma_start3A_140, %dma_start3A_142, %dma_start3A_143] : memref<2x128x128xf32, #tpu.memory_space<vmem>> -> memref<1x128x128xf32, #tpu.memory_space<vmem>>
      %dma_start3A_145 = tpu.memref_squeeze %dma_start3A_144 : memref<1x128x128xf32, #tpu.memory_space<vmem>> -> memref<128x128xf32, #tpu.memory_space<vmem>>
      %dma_start3A_146 = arith.constant 0 : i32
      %dma_start3A_147 = tpu.memref_slice %arg8[%dma_start3A_141, %dma_start3A_146] : memref<2x128xi32, #tpu.memory_space<vmem>> -> memref<1x128xi32, #tpu.memory_space<vmem>>
      %dma_start3A_148 = tpu.memref_squeeze %dma_start3A_147 : memref<1x128xi32, #tpu.memory_space<vmem>> -> memref<128xi32, #tpu.memory_space<vmem>>
      %dma_start3A_149 = arith.constant 0 : i32
      %dma_start3A_150 = arith.constant 0 : i32
      %dma_start3A_151 = tpu.memref_slice %arg10[%dma_start3A_149, %dma_start3A_150] : memref<10112x128xf32, #tpu.memory_space<vmem_shared>> -> memref<10112x128xf32, #tpu.memory_space<vmem_shared>>
      tpu.enqueue_indirect_dma source(%dma_start3A_145 : memref<128x128xf32, #tpu.memory_space<vmem>>) target(%dma_start3A_151 : memref<10112x128xf32, #tpu.memory_space<vmem_shared>>) offsets(%dma_start3A_148 : memref<128xi32, #tpu.memory_space<vmem>>) semaphore(%arg13 : memref<!tpu.dma_semaphore, #tpu.memory_space<semaphore_mem>>) {add = true}
      %add3A_152 = arith.constant 2 : i32
      %add3A_153 = arith.addi %add3A_115, %add3A_152 : i32
      %lt3A = arith.cmpi slt, %add3A_153, %select_n3A : i32
      %convert_element_type3A = arith.extui %lt3A : i1 to i32
      %cond3A = arith.constant 0 : i32
      %cond3A_154 = arith.cmpi ne, %convert_element_type3A, %cond3A : i32
      scf.if %cond3A_154 {
        %dma_wait3A_201 = arith.constant 0 : i32
        %dma_wait3A_202 = arith.constant 0 : i32
        %dma_wait3A_203 = arith.constant 0 : i32
        %dma_wait3A_204 = arith.constant 0 : i32
        %dma_wait3A_205 = tpu.memref_slice %arg9[%dma_wait3A_201, %dma_wait3A_203, %dma_wait3A_204] : memref<2x128x128xf32, #tpu.memory_space<vmem>> -> memref<1x128x128xf32, #tpu.memory_space<vmem>>
        %dma_wait3A_206 = tpu.memref_squeeze %dma_wait3A_205 : memref<1x128x128xf32, #tpu.memory_space<vmem>> -> memref<128x128xf32, #tpu.memory_space<vmem>>
        %dma_wait3A_207 = arith.constant 0 : i32
        %dma_wait3A_208 = tpu.memref_slice %arg8[%dma_wait3A_202, %dma_wait3A_207] : memref<2x128xi32, #tpu.memory_space<vmem>> -> memref<1x128xi32, #tpu.memory_space<vmem>>
        %dma_wait3A_209 = tpu.memref_squeeze %dma_wait3A_208 : memref<1x128xi32, #tpu.memory_space<vmem>> -> memref<128xi32, #tpu.memory_space<vmem>>
        %dma_wait3A_210 = arith.constant 0 : i32
        %dma_wait3A_211 = arith.constant 0 : i32
        %dma_wait3A_212 = tpu.memref_slice %arg10[%dma_wait3A_210, %dma_wait3A_211] : memref<10112x128xf32, #tpu.memory_space<vmem_shared>> -> memref<10112x128xf32, #tpu.memory_space<vmem_shared>>
        tpu.wait_indirect_dma semaphore(%arg13 : memref<!tpu.dma_semaphore, #tpu.memory_space<semaphore_mem>>) src(%dma_wait3A_206 : memref<128x128xf32, #tpu.memory_space<vmem>>) dst(%dma_wait3A_212 : memref<10112x128xf32, #tpu.memory_space<vmem_shared>>)
        %dma_start3A_213 = arith.constant 0 : i32
        %dma_start3A_214 = arith.constant 0 : i32
        %dma_start3A_215 = tpu.memref_slice %arg8[%dma_start3A_213, %dma_start3A_214] : memref<2x128xi32, #tpu.memory_space<vmem>> -> memref<1x128xi32, #tpu.memory_space<vmem>>
        %dma_start3A_216 = tpu.memref_squeeze %dma_start3A_215 : memref<1x128xi32, #tpu.memory_space<vmem>> -> memref<128xi32, #tpu.memory_space<vmem>>
        %dma_start3A_217 = arith.constant 0 : i32
        %dma_start3A_218 = tpu.memref_slice %arg4[%add3A, %add3A_153, %dma_start3A_217] : memref<32x80x128xi32, #tpu.memory_space<hbm>> -> memref<1x1x128xi32, #tpu.memory_space<hbm>>
        %dma_start3A_219 = tpu.memref_squeeze %dma_start3A_218 : memref<1x1x128xi32, #tpu.memory_space<hbm>> -> memref<128xi32, #tpu.memory_space<hbm>>
        %dma_start3A_220 = arith.constant 0 : i32
        %dma_start3A_221 = tpu.memref_slice %arg8[%dma_start3A_213, %dma_start3A_220] : memref<2x128xi32, #tpu.memory_space<vmem>> -> memref<1x128xi32, #tpu.memory_space<vmem>>
        %dma_start3A_222 = tpu.memref_squeeze %dma_start3A_221 : memref<1x128xi32, #tpu.memory_space<vmem>> -> memref<128xi32, #tpu.memory_space<vmem>>
        %dma_start3A_223 = arith.constant 0 : i32
        %dma_start3A_224 = tpu.memref_slice %arg4[%add3A, %add3A_153, %dma_start3A_223] : memref<32x80x128xi32, #tpu.memory_space<hbm>> -> memref<1x1x128xi32, #tpu.memory_space<hbm>>
        %dma_start3A_225 = tpu.memref_squeeze %dma_start3A_224 : memref<1x1x128xi32, #tpu.memory_space<hbm>> -> memref<128xi32, #tpu.memory_space<hbm>>
        tpu.enqueue_dma source(%dma_start3A_225 : memref<128xi32, #tpu.memory_space<hbm>>) target(%dma_start3A_222 : memref<128xi32, #tpu.memory_space<vmem>>) target_semaphore(%arg15 : memref<!tpu.dma_semaphore, #tpu.memory_space<semaphore_mem>>)
        %dma_start3A_226 = arith.constant 0 : i32
        %dma_start3A_227 = arith.constant 0 : i32
        %dma_start3A_228 = arith.constant 0 : i32
        %dma_start3A_229 = tpu.memref_slice %arg9[%dma_start3A_226, %dma_start3A_227, %dma_start3A_228] : memref<2x128x128xf32, #tpu.memory_space<vmem>> -> memref<1x128x128xf32, #tpu.memory_space<vmem>>
        %dma_start3A_230 = tpu.memref_squeeze %dma_start3A_229 : memref<1x128x128xf32, #tpu.memory_space<vmem>> -> memref<128x128xf32, #tpu.memory_space<vmem>>
        %dma_start3A_231 = arith.constant 0 : i32
        %dma_start3A_232 = tpu.memref_slice %arg7[%add3A_153, %dma_start3A_231] : memref<80x128xi32, #tpu.memory_space<vmem>> -> memref<1x128xi32, #tpu.memory_space<vmem>>
        %dma_start3A_233 = tpu.memref_squeeze %dma_start3A_232 : memref<1x128xi32, #tpu.memory_space<vmem>> -> memref<128xi32, #tpu.memory_space<vmem>>
        %dma_start3A_234 = arith.constant 0 : i32
        %dma_start3A_235 = arith.constant 0 : i32
        %dma_start3A_236 = tpu.memref_slice %arg2[%dma_start3A_234, %dma_start3A_235] : memref<50000x128xf32, #tpu.memory_space<hbm>> -> memref<50000x128xf32, #tpu.memory_space<hbm>>
        tpu.enqueue_indirect_dma source(%dma_start3A_236 : memref<50000x128xf32, #tpu.memory_space<hbm>>) target(%dma_start3A_230 : memref<128x128xf32, #tpu.memory_space<vmem>>) offsets(%dma_start3A_233 : memref<128xi32, #tpu.memory_space<vmem>>) semaphore(%arg11 : memref<!tpu.dma_semaphore, #tpu.memory_space<semaphore_mem>>)
      } else {
      }
      %mul3A_155 = arith.constant 2 : i32
      %mul3A_156 = arith.muli %while3A_111, %mul3A_155 : i32
      %add3A_157 = arith.constant 1 : i32
      %add3A_158 = arith.addi %mul3A_156, %add3A_157 : i32
      %dma_wait3A_159 = arith.constant 1 : i32
      %dma_wait3A_160 = arith.constant 0 : i32
      %dma_wait3A_161 = arith.constant 0 : i32
      %dma_wait3A_162 = tpu.memref_slice %arg9[%dma_wait3A_159, %dma_wait3A_160, %dma_wait3A_161] : memref<2x128x128xf32, #tpu.memory_space<vmem>> -> memref<1x128x128xf32, #tpu.memory_space<vmem>>
      %dma_wait3A_163 = tpu.memref_squeeze %dma_wait3A_162 : memref<1x128x128xf32, #tpu.memory_space<vmem>> -> memref<128x128xf32, #tpu.memory_space<vmem>>
      %dma_wait3A_164 = arith.constant 0 : i32
      %dma_wait3A_165 = tpu.memref_slice %arg7[%add3A_158, %dma_wait3A_164] : memref<80x128xi32, #tpu.memory_space<vmem>> -> memref<1x128xi32, #tpu.memory_space<vmem>>
      %dma_wait3A_166 = tpu.memref_squeeze %dma_wait3A_165 : memref<1x128xi32, #tpu.memory_space<vmem>> -> memref<128xi32, #tpu.memory_space<vmem>>
      %dma_wait3A_167 = arith.constant 0 : i32
      %dma_wait3A_168 = arith.constant 0 : i32
      %dma_wait3A_169 = tpu.memref_slice %arg2[%dma_wait3A_167, %dma_wait3A_168] : memref<50000x128xf32, #tpu.memory_space<hbm>> -> memref<50000x128xf32, #tpu.memory_space<hbm>>
      tpu.wait_indirect_dma semaphore(%arg12 : memref<!tpu.dma_semaphore, #tpu.memory_space<semaphore_mem>>) src(%dma_wait3A_169 : memref<50000x128xf32, #tpu.memory_space<hbm>>) dst(%dma_wait3A_163 : memref<128x128xf32, #tpu.memory_space<vmem>>)
      %dma_wait3A_170 = arith.constant 1 : i32
      %dma_wait3A_171 = arith.constant 0 : i32
      %dma_wait3A_172 = tpu.memref_slice %arg8[%dma_wait3A_170, %dma_wait3A_171] : memref<2x128xi32, #tpu.memory_space<vmem>> -> memref<1x128xi32, #tpu.memory_space<vmem>>
      %dma_wait3A_173 = tpu.memref_squeeze %dma_wait3A_172 : memref<1x128xi32, #tpu.memory_space<vmem>> -> memref<128xi32, #tpu.memory_space<vmem>>
      %dma_wait3A_174 = arith.constant 0 : i32
      %dma_wait3A_175 = tpu.memref_slice %arg4[%add3A, %add3A_158, %dma_wait3A_174] : memref<32x80x128xi32, #tpu.memory_space<hbm>> -> memref<1x1x128xi32, #tpu.memory_space<hbm>>
      %dma_wait3A_176 = tpu.memref_squeeze %dma_wait3A_175 : memref<1x1x128xi32, #tpu.memory_space<hbm>> -> memref<128xi32, #tpu.memory_space<hbm>>
      %dma_wait3A_177 = arith.constant 0 : i32
      %dma_wait3A_178 = tpu.memref_slice %arg8[%dma_wait3A_170, %dma_wait3A_177] : memref<2x128xi32, #tpu.memory_space<vmem>> -> memref<1x128xi32, #tpu.memory_space<vmem>>
      %dma_wait3A_179 = tpu.memref_squeeze %dma_wait3A_178 : memref<1x128xi32, #tpu.memory_space<vmem>> -> memref<128xi32, #tpu.memory_space<vmem>>
      %dma_wait3A_180 = arith.constant 0 : i32
      %dma_wait3A_181 = tpu.memref_slice %arg4[%add3A, %add3A_158, %dma_wait3A_180] : memref<32x80x128xi32, #tpu.memory_space<hbm>> -> memref<1x1x128xi32, #tpu.memory_space<hbm>>
      %dma_wait3A_182 = tpu.memref_squeeze %dma_wait3A_181 : memref<1x1x128xi32, #tpu.memory_space<hbm>> -> memref<128xi32, #tpu.memory_space<hbm>>
      tpu.wait_dma2 semaphore(%arg16 : memref<!tpu.dma_semaphore, #tpu.memory_space<semaphore_mem>>) src(%dma_wait3A_182 : memref<128xi32, #tpu.memory_space<hbm>>) dst(%dma_wait3A_179 : memref<128xi32, #tpu.memory_space<vmem>>)
      %dma_start3A_183 = arith.constant 1 : i32
      %dma_start3A_184 = arith.constant 1 : i32
      %dma_start3A_185 = arith.constant 0 : i32
      %dma_start3A_186 = arith.constant 0 : i32
      %dma_start3A_187 = tpu.memref_slice %arg9[%dma_start3A_183, %dma_start3A_185, %dma_start3A_186] : memref<2x128x128xf32, #tpu.memory_space<vmem>> -> memref<1x128x128xf32, #tpu.memory_space<vmem>>
      %dma_start3A_188 = tpu.memref_squeeze %dma_start3A_187 : memref<1x128x128xf32, #tpu.memory_space<vmem>> -> memref<128x128xf32, #tpu.memory_space<vmem>>
      %dma_start3A_189 = arith.constant 0 : i32
      %dma_start3A_190 = tpu.memref_slice %arg8[%dma_start3A_184, %dma_start3A_189] : memref<2x128xi32, #tpu.memory_space<vmem>> -> memref<1x128xi32, #tpu.memory_space<vmem>>
      %dma_start3A_191 = tpu.memref_squeeze %dma_start3A_190 : memref<1x128xi32, #tpu.memory_space<vmem>> -> memref<128xi32, #tpu.memory_space<vmem>>
      %dma_start3A_192 = arith.constant 0 : i32
      %dma_start3A_193 = arith.constant 0 : i32
      %dma_start3A_194 = tpu.memref_slice %arg10[%dma_start3A_192, %dma_start3A_193] : memref<10112x128xf32, #tpu.memory_space<vmem_shared>> -> memref<10112x128xf32, #tpu.memory_space<vmem_shared>>
      tpu.enqueue_indirect_dma source(%dma_start3A_188 : memref<128x128xf32, #tpu.memory_space<vmem>>) target(%dma_start3A_194 : memref<10112x128xf32, #tpu.memory_space<vmem_shared>>) offsets(%dma_start3A_191 : memref<128xi32, #tpu.memory_space<vmem>>) semaphore(%arg14 : memref<!tpu.dma_semaphore, #tpu.memory_space<semaphore_mem>>) {add = true}
      %add3A_195 = arith.constant 2 : i32
      %add3A_196 = arith.addi %add3A_158, %add3A_195 : i32
      %lt3A_197 = arith.cmpi slt, %add3A_196, %select_n3A : i32
      %convert_element_type3A_198 = arith.extui %lt3A_197 : i1 to i32
      %cond3A_199 = arith.constant 0 : i32
      %cond3A_200 = arith.cmpi ne, %convert_element_type3A_198, %cond3A_199 : i32
      scf.if %cond3A_200 {
        %dma_wait3A_201 = arith.constant 1 : i32
        %dma_wait3A_202 = arith.constant 1 : i32
        %dma_wait3A_203 = arith.constant 0 : i32
        %dma_wait3A_204 = arith.constant 0 : i32
        %dma_wait3A_205 = tpu.memref_slice %arg9[%dma_wait3A_201, %dma_wait3A_203, %dma_wait3A_204] : memref<2x128x128xf32, #tpu.memory_space<vmem>> -> memref<1x128x128xf32, #tpu.memory_space<vmem>>
        %dma_wait3A_206 = tpu.memref_squeeze %dma_wait3A_205 : memref<1x128x128xf32, #tpu.memory_space<vmem>> -> memref<128x128xf32, #tpu.memory_space<vmem>>
        %dma_wait3A_207 = arith.constant 0 : i32
        %dma_wait3A_208 = tpu.memref_slice %arg8[%dma_wait3A_202, %dma_wait3A_207] : memref<2x128xi32, #tpu.memory_space<vmem>> -> memref<1x128xi32, #tpu.memory_space<vmem>>
        %dma_wait3A_209 = tpu.memref_squeeze %dma_wait3A_208 : memref<1x128xi32, #tpu.memory_space<vmem>> -> memref<128xi32, #tpu.memory_space<vmem>>
        %dma_wait3A_210 = arith.constant 0 : i32
        %dma_wait3A_211 = arith.constant 0 : i32
        %dma_wait3A_212 = tpu.memref_slice %arg10[%dma_wait3A_210, %dma_wait3A_211] : memref<10112x128xf32, #tpu.memory_space<vmem_shared>> -> memref<10112x128xf32, #tpu.memory_space<vmem_shared>>
        tpu.wait_indirect_dma semaphore(%arg14 : memref<!tpu.dma_semaphore, #tpu.memory_space<semaphore_mem>>) src(%dma_wait3A_206 : memref<128x128xf32, #tpu.memory_space<vmem>>) dst(%dma_wait3A_212 : memref<10112x128xf32, #tpu.memory_space<vmem_shared>>)
        %dma_start3A_213 = arith.constant 1 : i32
        %dma_start3A_214 = arith.constant 0 : i32
        %dma_start3A_215 = tpu.memref_slice %arg8[%dma_start3A_213, %dma_start3A_214] : memref<2x128xi32, #tpu.memory_space<vmem>> -> memref<1x128xi32, #tpu.memory_space<vmem>>
        %dma_start3A_216 = tpu.memref_squeeze %dma_start3A_215 : memref<1x128xi32, #tpu.memory_space<vmem>> -> memref<128xi32, #tpu.memory_space<vmem>>
        %dma_start3A_217 = arith.constant 0 : i32
        %dma_start3A_218 = tpu.memref_slice %arg4[%add3A, %add3A_196, %dma_start3A_217] : memref<32x80x128xi32, #tpu.memory_space<hbm>> -> memref<1x1x128xi32, #tpu.memory_space<hbm>>
        %dma_start3A_219 = tpu.memref_squeeze %dma_start3A_218 : memref<1x1x128xi32, #tpu.memory_space<hbm>> -> memref<128xi32, #tpu.memory_space<hbm>>
        %dma_start3A_220 = arith.constant 0 : i32
        %dma_start3A_221 = tpu.memref_slice %arg8[%dma_start3A_213, %dma_start3A_220] : memref<2x128xi32, #tpu.memory_space<vmem>> -> memref<1x128xi32, #tpu.memory_space<vmem>>
        %dma_start3A_222 = tpu.memref_squeeze %dma_start3A_221 : memref<1x128xi32, #tpu.memory_space<vmem>> -> memref<128xi32, #tpu.memory_space<vmem>>
        %dma_start3A_223 = arith.constant 0 : i32
        %dma_start3A_224 = tpu.memref_slice %arg4[%add3A, %add3A_196, %dma_start3A_223] : memref<32x80x128xi32, #tpu.memory_space<hbm>> -> memref<1x1x128xi32, #tpu.memory_space<hbm>>
        %dma_start3A_225 = tpu.memref_squeeze %dma_start3A_224 : memref<1x1x128xi32, #tpu.memory_space<hbm>> -> memref<128xi32, #tpu.memory_space<hbm>>
        tpu.enqueue_dma source(%dma_start3A_225 : memref<128xi32, #tpu.memory_space<hbm>>) target(%dma_start3A_222 : memref<128xi32, #tpu.memory_space<vmem>>) target_semaphore(%arg16 : memref<!tpu.dma_semaphore, #tpu.memory_space<semaphore_mem>>)
        %dma_start3A_226 = arith.constant 1 : i32
        %dma_start3A_227 = arith.constant 0 : i32
        %dma_start3A_228 = arith.constant 0 : i32
        %dma_start3A_229 = tpu.memref_slice %arg9[%dma_start3A_226, %dma_start3A_227, %dma_start3A_228] : memref<2x128x128xf32, #tpu.memory_space<vmem>> -> memref<1x128x128xf32, #tpu.memory_space<vmem>>
        %dma_start3A_230 = tpu.memref_squeeze %dma_start3A_229 : memref<1x128x128xf32, #tpu.memory_space<vmem>> -> memref<128x128xf32, #tpu.memory_space<vmem>>
        %dma_start3A_231 = arith.constant 0 : i32
        %dma_start3A_232 = tpu.memref_slice %arg7[%add3A_196, %dma_start3A_231] : memref<80x128xi32, #tpu.memory_space<vmem>> -> memref<1x128xi32, #tpu.memory_space<vmem>>
        %dma_start3A_233 = tpu.memref_squeeze %dma_start3A_232 : memref<1x128xi32, #tpu.memory_space<vmem>> -> memref<128xi32, #tpu.memory_space<vmem>>
        %dma_start3A_234 = arith.constant 0 : i32
        %dma_start3A_235 = arith.constant 0 : i32
        %dma_start3A_236 = tpu.memref_slice %arg2[%dma_start3A_234, %dma_start3A_235] : memref<50000x128xf32, #tpu.memory_space<hbm>> -> memref<50000x128xf32, #tpu.memory_space<hbm>>
        tpu.enqueue_indirect_dma source(%dma_start3A_236 : memref<50000x128xf32, #tpu.memory_space<hbm>>) target(%dma_start3A_230 : memref<128x128xf32, #tpu.memory_space<vmem>>) offsets(%dma_start3A_233 : memref<128xi32, #tpu.memory_space<vmem>>) semaphore(%arg12 : memref<!tpu.dma_semaphore, #tpu.memory_space<semaphore_mem>>)
      } else {
      }
    }
    %dma_wait3A = arith.constant 0 : i32
    %dma_wait3A_83 = arith.constant 0 : i32
    %dma_wait3A_84 = arith.constant 0 : i32
    %dma_wait3A_85 = arith.constant 0 : i32
    %dma_wait3A_86 = tpu.memref_slice %arg9[%dma_wait3A, %dma_wait3A_84, %dma_wait3A_85] : memref<2x128x128xf32, #tpu.memory_space<vmem>> -> memref<1x128x128xf32, #tpu.memory_space<vmem>>
    %dma_wait3A_87 = tpu.memref_squeeze %dma_wait3A_86 : memref<1x128x128xf32, #tpu.memory_space<vmem>> -> memref<128x128xf32, #tpu.memory_space<vmem>>
    %dma_wait3A_88 = arith.constant 0 : i32
    %dma_wait3A_89 = tpu.memref_slice %arg8[%dma_wait3A_83, %dma_wait3A_88] : memref<2x128xi32, #tpu.memory_space<vmem>> -> memref<1x128xi32, #tpu.memory_space<vmem>>
    %dma_wait3A_90 = tpu.memref_squeeze %dma_wait3A_89 : memref<1x128xi32, #tpu.memory_space<vmem>> -> memref<128xi32, #tpu.memory_space<vmem>>
    %dma_wait3A_91 = arith.constant 0 : i32
    %dma_wait3A_92 = arith.constant 0 : i32
    %dma_wait3A_93 = tpu.memref_slice %arg10[%dma_wait3A_91, %dma_wait3A_92] : memref<10112x128xf32, #tpu.memory_space<vmem_shared>> -> memref<10112x128xf32, #tpu.memory_space<vmem_shared>>
    tpu.wait_indirect_dma semaphore(%arg13 : memref<!tpu.dma_semaphore, #tpu.memory_space<semaphore_mem>>) src(%dma_wait3A_87 : memref<128x128xf32, #tpu.memory_space<vmem>>) dst(%dma_wait3A_93 : memref<10112x128xf32, #tpu.memory_space<vmem_shared>>)
    %dma_wait3A_94 = arith.constant 1 : i32
    %dma_wait3A_95 = arith.constant 1 : i32
    %dma_wait3A_96 = arith.constant 0 : i32
    %dma_wait3A_97 = arith.constant 0 : i32
    %dma_wait3A_98 = tpu.memref_slice %arg9[%dma_wait3A_94, %dma_wait3A_96, %dma_wait3A_97] : memref<2x128x128xf32, #tpu.memory_space<vmem>> -> memref<1x128x128xf32, #tpu.memory_space<vmem>>
    %dma_wait3A_99 = tpu.memref_squeeze %dma_wait3A_98 : memref<1x128x128xf32, #tpu.memory_space<vmem>> -> memref<128x128xf32, #tpu.memory_space<vmem>>
    %dma_wait3A_100 = arith.constant 0 : i32
    %dma_wait3A_101 = tpu.memref_slice %arg8[%dma_wait3A_95, %dma_wait3A_100] : memref<2x128xi32, #tpu.memory_space<vmem>> -> memref<1x128xi32, #tpu.memory_space<vmem>>
    %dma_wait3A_102 = tpu.memref_squeeze %dma_wait3A_101 : memref<1x128xi32, #tpu.memory_space<vmem>> -> memref<128xi32, #tpu.memory_space<vmem>>
    %dma_wait3A_103 = arith.constant 0 : i32
    %dma_wait3A_104 = arith.constant 0 : i32
    %dma_wait3A_105 = tpu.memref_slice %arg10[%dma_wait3A_103, %dma_wait3A_104] : memref<10112x128xf32, #tpu.memory_space<vmem_shared>> -> memref<10112x128xf32, #tpu.memory_space<vmem_shared>>
    tpu.wait_indirect_dma semaphore(%arg14 : memref<!tpu.dma_semaphore, #tpu.memory_space<semaphore_mem>>) src(%dma_wait3A_99 : memref<128x128xf32, #tpu.memory_space<vmem>>) dst(%dma_wait3A_105 : memref<10112x128xf32, #tpu.memory_space<vmem_shared>>)
    %barrier3A_106 = arith.constant 0 : index
    tpu.barrier barrier_id(%barrier3A_106)
    %mul3A_107 = arith.constant 632 : i32
    %mul3A_108 = arith.muli %arg1, %mul3A_107 : i32
    %mul3A_109 = arith.constant 632 : i32
    %mul3A_110 = arith.muli %arg1, %mul3A_109 : i32
    "tpu.region"() ({
      %run_scoped3A = tpu.sem_alloc : memref<!tpu.dma_semaphore, #tpu.memory_space<semaphore_mem>>
      %dma_start3A_111 = arith.constant 0 : i32
      %dma_start3A_112 = tpu.memref_slice %arg6[%arg0, %mul3A_110, %dma_start3A_111] : memref<2x10112x128xf32, #tpu.memory_space<hbm>> -> memref<1x632x128xf32, #tpu.memory_space<hbm>>
      %dma_start3A_113 = tpu.memref_squeeze %dma_start3A_112 : memref<1x632x128xf32, #tpu.memory_space<hbm>> -> memref<632x128xf32, #tpu.memory_space<hbm>>
      %dma_start3A_114 = arith.constant 0 : i32
      %dma_start3A_115 = tpu.memref_slice %arg10[%mul3A_108, %dma_start3A_114] : memref<10112x128xf32, #tpu.memory_space<vmem_shared>> -> memref<632x128xf32, #tpu.memory_space<vmem_shared>>
      tpu.enqueue_dma source(%dma_start3A_115 : memref<632x128xf32, #tpu.memory_space<vmem_shared>>) target(%dma_start3A_113 : memref<632x128xf32, #tpu.memory_space<hbm>>) target_semaphore(%run_scoped3A : memref<!tpu.dma_semaphore, #tpu.memory_space<semaphore_mem>>)
      %dma_wait3A_116 = arith.constant 0 : i32
      %dma_wait3A_117 = tpu.memref_slice %arg6[%arg0, %mul3A_110, %dma_wait3A_116] : memref<2x10112x128xf32, #tpu.memory_space<hbm>> -> memref<1x632x128xf32, #tpu.memory_space<hbm>>
      %dma_wait3A_118 = tpu.memref_squeeze %dma_wait3A_117 : memref<1x632x128xf32, #tpu.memory_space<hbm>> -> memref<632x128xf32, #tpu.memory_space<hbm>>
      %dma_wait3A_119 = arith.constant 0 : i32
      %dma_wait3A_120 = tpu.memref_slice %arg10[%mul3A_108, %dma_wait3A_119] : memref<10112x128xf32, #tpu.memory_space<vmem_shared>> -> memref<632x128xf32, #tpu.memory_space<vmem_shared>>
      tpu.wait_dma2 semaphore(%run_scoped3A : memref<!tpu.dma_semaphore, #tpu.memory_space<semaphore_mem>>) src(%dma_wait3A_120 : memref<632x128xf32, #tpu.memory_space<vmem_shared>>) dst(%dma_wait3A_118 : memref<632x128xf32, #tpu.memory_space<hbm>>)
      tpu.yield
    }) : () -> ()
    return
  }
}

module attributes {stable_mosaic.version = 14 : i64} {
  func.func @_proj_body(%arg0: i32, %arg1: memref<5x2xf32, #tpu.memory_space<smem>>, %arg2: memref<2000x128xf32, #tpu.memory_space<vmem>>, %arg3: memref<2x128x128xf32, #tpu.memory_space<vmem>>, %arg4: memref<128x128xf32, #tpu.memory_space<vmem>>, %arg5: memref<1x128xf32, #tpu.memory_space<vmem>>, %arg6: memref<5x2000x128xf32, #tpu.memory_space<vmem>>, %arg7: memref<2000x128xf32, #tpu.memory_space<vmem>>) attributes {dimension_semantics = [#tpu.dimension_semantics<arbitrary>], iteration_bounds = array<i64: 5>, scalar_prefetch = 0 : i64, scratch_operands = 0 : i64, tpu.core_type = #tpu.core_type<tc>, window_params = [{transform_indices = @transform_0, window_bounds = array<i64: 5, 2>}, {transform_indices = @transform_1, window_bounds = array<i64: 2000, 128>}, {pipeline_mode = #tpu.pipeline_mode<synchronous>, transform_indices = @transform_2, window_bounds = array<i64: 2, 128, 128>}, {pipeline_mode = #tpu.pipeline_mode<synchronous>, transform_indices = @transform_3, window_bounds = array<i64: 128, 128>}, {pipeline_mode = #tpu.pipeline_mode<synchronous>, transform_indices = @transform_4, window_bounds = array<i64: 1, 128>}, {transform_indices = @transform_5, window_bounds = array<i64: 5, 2000, 128>}, {transform_indices = @transform_6, window_bounds = array<i64: 2000, 128>}]} {
    %get3A = arith.constant 0 : index
    %get3A_0 = arith.constant 0 : index
    %get3A_1 = vector.load %arg2[%get3A, %get3A_0] : memref<2000x128xf32, #tpu.memory_space<vmem>>, vector<2000x128xf32>
    %get3A_2 = arith.constant 0 : index
    %get3A_3 = arith.constant 0 : index
    %get3A_4 = arith.constant 0 : index
    %get3A_5 = vector.load %arg3[%get3A_2, %get3A_3, %get3A_4] : memref<2x128x128xf32, #tpu.memory_space<vmem>>, vector<1x128x128xf32>
    %get3A_6 = vector.shape_cast %get3A_5 : vector<1x128x128xf32> to vector<128x128xf32>
    %get3A_7 = arith.constant 1 : index
    %get3A_8 = arith.constant 0 : index
    %get3A_9 = arith.constant 0 : index
    %get3A_10 = vector.load %arg3[%get3A_7, %get3A_8, %get3A_9] : memref<2x128x128xf32, #tpu.memory_space<vmem>>, vector<1x128x128xf32>
    %get3A_11 = vector.shape_cast %get3A_10 : vector<1x128x128xf32> to vector<128x128xf32>
    %get3A_12 = arith.constant 0 : index
    %get3A_13 = arith.constant 0 : index
    %get3A_14 = memref.load %arg1[%get3A_12, %get3A_13] : memref<5x2xf32, #tpu.memory_space<smem>>
    %mul3A = vector.broadcast %get3A_14 : f32 to vector<128x128xf32>
    %mul3A_15 = arith.mulf %mul3A, %get3A_6 : vector<128x128xf32>
    %get3A_16 = arith.constant 0 : index
    %get3A_17 = arith.constant 1 : index
    %get3A_18 = memref.load %arg1[%get3A_16, %get3A_17] : memref<5x2xf32, #tpu.memory_space<smem>>
    %mul3A_19 = vector.broadcast %get3A_18 : f32 to vector<128x128xf32>
    %mul3A_20 = arith.mulf %mul3A_19, %get3A_11 : vector<128x128xf32>
    %add3A = arith.addf %mul3A_15, %mul3A_20 : vector<128x128xf32>
    %dot_general3A = arith.constant dense<0.000000e+00> : vector<2000x128xf32>
    %dot_general3A_21 = tpu.matmul %get3A_1, %add3A, %dot_general3A {dimension_numbers = #tpu.dot_dimension_numbers<[1], [0], [0], [1], [0, 0, 1, 1], [], []>, transpose_lhs_hint = false} : vector<2000x128xf32>, vector<128x128xf32>, vector<2000x128xf32> -> vector<2000x128xf32>
    %swap3A = arith.constant 0 : index
    %swap3A_22 = arith.constant 0 : index
    %swap3A_23 = arith.constant 0 : index
    %swap3A_24 = vector.load %arg6[%swap3A, %swap3A_22, %swap3A_23] : memref<5x2000x128xf32, #tpu.memory_space<vmem>>, vector<1x2000x128xf32>
    %swap3A_25 = vector.shape_cast %swap3A_24 : vector<1x2000x128xf32> to vector<2000x128xf32>
    %swap3A_26 = vector.shape_cast %dot_general3A_21 : vector<2000x128xf32> to vector<1x2000x128xf32>
    tpu.vector_store %arg6[%swap3A, %swap3A_22, %swap3A_23], %swap3A_26 {strides = array<i32>} : memref<5x2000x128xf32, #tpu.memory_space<vmem>>, vector<1x2000x128xf32>,
    %get3A_27 = arith.constant 1 : index
    %get3A_28 = arith.constant 0 : index
    %get3A_29 = memref.load %arg1[%get3A_27, %get3A_28] : memref<5x2xf32, #tpu.memory_space<smem>>
    %mul3A_30 = vector.broadcast %get3A_29 : f32 to vector<128x128xf32>
    %mul3A_31 = arith.mulf %mul3A_30, %get3A_6 : vector<128x128xf32>
    %get3A_32 = arith.constant 1 : index
    %get3A_33 = arith.constant 1 : index
    %get3A_34 = memref.load %arg1[%get3A_32, %get3A_33] : memref<5x2xf32, #tpu.memory_space<smem>>
    %mul3A_35 = vector.broadcast %get3A_34 : f32 to vector<128x128xf32>
    %mul3A_36 = arith.mulf %mul3A_35, %get3A_11 : vector<128x128xf32>
    %add3A_37 = arith.addf %mul3A_31, %mul3A_36 : vector<128x128xf32>
    %dot_general3A_38 = arith.constant dense<0.000000e+00> : vector<2000x128xf32>
    %dot_general3A_39 = tpu.matmul %get3A_1, %add3A_37, %dot_general3A_38 {dimension_numbers = #tpu.dot_dimension_numbers<[1], [0], [0], [1], [0, 0, 1, 1], [], []>, transpose_lhs_hint = false} : vector<2000x128xf32>, vector<128x128xf32>, vector<2000x128xf32> -> vector<2000x128xf32>
    %swap3A_40 = arith.constant 1 : index
    %swap3A_41 = arith.constant 0 : index
    %swap3A_42 = arith.constant 0 : index
    %swap3A_43 = vector.load %arg6[%swap3A_40, %swap3A_41, %swap3A_42] : memref<5x2000x128xf32, #tpu.memory_space<vmem>>, vector<1x2000x128xf32>
    %swap3A_44 = vector.shape_cast %swap3A_43 : vector<1x2000x128xf32> to vector<2000x128xf32>
    %swap3A_45 = vector.shape_cast %dot_general3A_39 : vector<2000x128xf32> to vector<1x2000x128xf32>
    tpu.vector_store %arg6[%swap3A_40, %swap3A_41, %swap3A_42], %swap3A_45 {strides = array<i32>} : memref<5x2000x128xf32, #tpu.memory_space<vmem>>, vector<1x2000x128xf32>,
    %get3A_46 = arith.constant 2 : index
    %get3A_47 = arith.constant 0 : index
    %get3A_48 = memref.load %arg1[%get3A_46, %get3A_47] : memref<5x2xf32, #tpu.memory_space<smem>>
    %mul3A_49 = vector.broadcast %get3A_48 : f32 to vector<128x128xf32>
    %mul3A_50 = arith.mulf %mul3A_49, %get3A_6 : vector<128x128xf32>
    %get3A_51 = arith.constant 2 : index
    %get3A_52 = arith.constant 1 : index
    %get3A_53 = memref.load %arg1[%get3A_51, %get3A_52] : memref<5x2xf32, #tpu.memory_space<smem>>
    %mul3A_54 = vector.broadcast %get3A_53 : f32 to vector<128x128xf32>
    %mul3A_55 = arith.mulf %mul3A_54, %get3A_11 : vector<128x128xf32>
    %add3A_56 = arith.addf %mul3A_50, %mul3A_55 : vector<128x128xf32>
    %dot_general3A_57 = arith.constant dense<0.000000e+00> : vector<2000x128xf32>
    %dot_general3A_58 = tpu.matmul %get3A_1, %add3A_56, %dot_general3A_57 {dimension_numbers = #tpu.dot_dimension_numbers<[1], [0], [0], [1], [0, 0, 1, 1], [], []>, transpose_lhs_hint = false} : vector<2000x128xf32>, vector<128x128xf32>, vector<2000x128xf32> -> vector<2000x128xf32>
    %swap3A_59 = arith.constant 2 : index
    %swap3A_60 = arith.constant 0 : index
    %swap3A_61 = arith.constant 0 : index
    %swap3A_62 = vector.load %arg6[%swap3A_59, %swap3A_60, %swap3A_61] : memref<5x2000x128xf32, #tpu.memory_space<vmem>>, vector<1x2000x128xf32>
    %swap3A_63 = vector.shape_cast %swap3A_62 : vector<1x2000x128xf32> to vector<2000x128xf32>
    %swap3A_64 = vector.shape_cast %dot_general3A_58 : vector<2000x128xf32> to vector<1x2000x128xf32>
    tpu.vector_store %arg6[%swap3A_59, %swap3A_60, %swap3A_61], %swap3A_64 {strides = array<i32>} : memref<5x2000x128xf32, #tpu.memory_space<vmem>>, vector<1x2000x128xf32>,
    %get3A_65 = arith.constant 3 : index
    %get3A_66 = arith.constant 0 : index
    %get3A_67 = memref.load %arg1[%get3A_65, %get3A_66] : memref<5x2xf32, #tpu.memory_space<smem>>
    %mul3A_68 = vector.broadcast %get3A_67 : f32 to vector<128x128xf32>
    %mul3A_69 = arith.mulf %mul3A_68, %get3A_6 : vector<128x128xf32>
    %get3A_70 = arith.constant 3 : index
    %get3A_71 = arith.constant 1 : index
    %get3A_72 = memref.load %arg1[%get3A_70, %get3A_71] : memref<5x2xf32, #tpu.memory_space<smem>>
    %mul3A_73 = vector.broadcast %get3A_72 : f32 to vector<128x128xf32>
    %mul3A_74 = arith.mulf %mul3A_73, %get3A_11 : vector<128x128xf32>
    %add3A_75 = arith.addf %mul3A_69, %mul3A_74 : vector<128x128xf32>
    %dot_general3A_76 = arith.constant dense<0.000000e+00> : vector<2000x128xf32>
    %dot_general3A_77 = tpu.matmul %get3A_1, %add3A_75, %dot_general3A_76 {dimension_numbers = #tpu.dot_dimension_numbers<[1], [0], [0], [1], [0, 0, 1, 1], [], []>, transpose_lhs_hint = false} : vector<2000x128xf32>, vector<128x128xf32>, vector<2000x128xf32> -> vector<2000x128xf32>
    %swap3A_78 = arith.constant 3 : index
    %swap3A_79 = arith.constant 0 : index
    %swap3A_80 = arith.constant 0 : index
    %swap3A_81 = vector.load %arg6[%swap3A_78, %swap3A_79, %swap3A_80] : memref<5x2000x128xf32, #tpu.memory_space<vmem>>, vector<1x2000x128xf32>
    %swap3A_82 = vector.shape_cast %swap3A_81 : vector<1x2000x128xf32> to vector<2000x128xf32>
    %swap3A_83 = vector.shape_cast %dot_general3A_77 : vector<2000x128xf32> to vector<1x2000x128xf32>
    tpu.vector_store %arg6[%swap3A_78, %swap3A_79, %swap3A_80], %swap3A_83 {strides = array<i32>} : memref<5x2000x128xf32, #tpu.memory_space<vmem>>, vector<1x2000x128xf32>,
    %get3A_84 = arith.constant 4 : index
    %get3A_85 = arith.constant 0 : index
    %get3A_86 = memref.load %arg1[%get3A_84, %get3A_85] : memref<5x2xf32, #tpu.memory_space<smem>>
    %mul3A_87 = vector.broadcast %get3A_86 : f32 to vector<128x128xf32>
    %mul3A_88 = arith.mulf %mul3A_87, %get3A_6 : vector<128x128xf32>
    %get3A_89 = arith.constant 4 : index
    %get3A_90 = arith.constant 1 : index
    %get3A_91 = memref.load %arg1[%get3A_89, %get3A_90] : memref<5x2xf32, #tpu.memory_space<smem>>
    %mul3A_92 = vector.broadcast %get3A_91 : f32 to vector<128x128xf32>
    %mul3A_93 = arith.mulf %mul3A_92, %get3A_11 : vector<128x128xf32>
    %add3A_94 = arith.addf %mul3A_88, %mul3A_93 : vector<128x128xf32>
    %dot_general3A_95 = arith.constant dense<0.000000e+00> : vector<2000x128xf32>
    %dot_general3A_96 = tpu.matmul %get3A_1, %add3A_94, %dot_general3A_95 {dimension_numbers = #tpu.dot_dimension_numbers<[1], [0], [0], [1], [0, 0, 1, 1], [], []>, transpose_lhs_hint = false} : vector<2000x128xf32>, vector<128x128xf32>, vector<2000x128xf32> -> vector<2000x128xf32>
    %swap3A_97 = arith.constant 4 : index
    %swap3A_98 = arith.constant 0 : index
    %swap3A_99 = arith.constant 0 : index
    %swap3A_100 = vector.load %arg6[%swap3A_97, %swap3A_98, %swap3A_99] : memref<5x2000x128xf32, #tpu.memory_space<vmem>>, vector<1x2000x128xf32>
    %swap3A_101 = vector.shape_cast %swap3A_100 : vector<1x2000x128xf32> to vector<2000x128xf32>
    %swap3A_102 = vector.shape_cast %dot_general3A_96 : vector<2000x128xf32> to vector<1x2000x128xf32>
    tpu.vector_store %arg6[%swap3A_97, %swap3A_98, %swap3A_99], %swap3A_102 {strides = array<i32>} : memref<5x2000x128xf32, #tpu.memory_space<vmem>>, vector<1x2000x128xf32>,
    %get3A_103 = arith.constant 0 : index
    %get3A_104 = arith.constant 0 : index
    %get3A_105 = vector.load %arg4[%get3A_103, %get3A_104] : memref<128x128xf32, #tpu.memory_space<vmem>>, vector<128x128xf32>
    %dot_general3A_106 = arith.constant dense<0.000000e+00> : vector<2000x128xf32>
    %dot_general3A_107 = tpu.matmul %get3A_1, %get3A_105, %dot_general3A_106 {dimension_numbers = #tpu.dot_dimension_numbers<[1], [0], [0], [1], [0, 0, 1, 1], [], []>, transpose_lhs_hint = false} : vector<2000x128xf32>, vector<128x128xf32>, vector<2000x128xf32> -> vector<2000x128xf32>
    %get3A_108 = arith.constant 0 : index
    %get3A_109 = arith.constant 0 : index
    %get3A_110 = vector.load %arg5[%get3A_108, %get3A_109] : memref<1x128xf32, #tpu.memory_space<vmem>>, vector<1x128xf32>
    %add3A_111 = vector.broadcast %get3A_110 : vector<1x128xf32> to vector<2000x128xf32>
    %add3A_112 = arith.addf %dot_general3A_107, %add3A_111 : vector<2000x128xf32>
    %swap3A_113 = arith.constant 0 : index
    %swap3A_114 = arith.constant 0 : index
    %swap3A_115 = vector.load %arg7[%swap3A_113, %swap3A_114] : memref<2000x128xf32, #tpu.memory_space<vmem>>, vector<2000x128xf32>
    tpu.vector_store %arg7[%swap3A_113, %swap3A_114], %add3A_112 {strides = array<i32>} : memref<2000x128xf32, #tpu.memory_space<vmem>>, vector<2000x128xf32>,
    return
  }
  func.func @transform_0(%arg0: i32) -> (i32, i32) {
    %c0_i32 = arith.constant 0 : i32
    %c0_i32_0 = arith.constant 0 : i32
    %c0_i32_1 = arith.constant 0 : i32
    return %c0_i32, %c0_i32_0 : i32, i32
  }
  func.func @transform_1(%arg0: i32) -> (i32, i32) {
    %c0_i32 = arith.constant 0 : i32
    %c0_i32_0 = arith.constant 0 : i32
    return %arg0, %c0_i32 : i32, i32
  }
  func.func @transform_2(%arg0: i32) -> (i32, i32, i32) {
    %c0_i32 = arith.constant 0 : i32
    %c0_i32_0 = arith.constant 0 : i32
    %c0_i32_1 = arith.constant 0 : i32
    %c0_i32_2 = arith.constant 0 : i32
    return %c0_i32, %c0_i32_0, %c0_i32_1 : i32, i32, i32
  }
  func.func @transform_3(%arg0: i32) -> (i32, i32) {
    %c0_i32 = arith.constant 0 : i32
    %c0_i32_0 = arith.constant 0 : i32
    %c0_i32_1 = arith.constant 0 : i32
    return %c0_i32, %c0_i32_0 : i32, i32
  }
  func.func @transform_4(%arg0: i32) -> (i32, i32) {
    %c0_i32 = arith.constant 0 : i32
    %c0_i32_0 = arith.constant 0 : i32
    %c0_i32_1 = arith.constant 0 : i32
    return %c0_i32, %c0_i32_0 : i32, i32
  }
  func.func @transform_5(%arg0: i32) -> (i32, i32, i32) {
    %c0_i32 = arith.constant 0 : i32
    %c0_i32_0 = arith.constant 0 : i32
    %c0_i32_1 = arith.constant 0 : i32
    return %c0_i32, %arg0, %c0_i32_0 : i32, i32, i32
  }
  func.func @transform_6(%arg0: i32) -> (i32, i32) {
    %c0_i32 = arith.constant 0 : i32
    %c0_i32_0 = arith.constant 0 : i32
    return %arg0, %c0_i32 : i32, i32
  }
}

module attributes {stable_mosaic.version = 14 : i64} {
  func.func @_final_body(%arg0: i32, %arg1: memref<2000x128xf32, #tpu.memory_space<vmem>>, %arg2: memref<2x2000x128xf32, #tpu.memory_space<vmem>>, %arg3: memref<2000x128xf32, #tpu.memory_space<vmem>>, %arg4: memref<2000x128xf32, #tpu.memory_space<vmem>>, %arg5: memref<2000x256xf32, #tpu.memory_space<vmem>>) attributes {dimension_semantics = [#tpu.dimension_semantics<arbitrary>], iteration_bounds = array<i64: 5>, scalar_prefetch = 0 : i64, scratch_operands = 0 : i64, tpu.core_type = #tpu.core_type<tc>, window_params = [{transform_indices = @transform_0, window_bounds = array<i64: 2000, 128>}, {transform_indices = @transform_1, window_bounds = array<i64: 2, 2000, 128>}, {transform_indices = @transform_2, window_bounds = array<i64: 2000, 128>}, {transform_indices = @transform_3, window_bounds = array<i64: 2000, 128>}, {transform_indices = @transform_4, window_bounds = array<i64: 2000, 256>}]} {
    %get3A = arith.constant 0 : index
    %get3A_0 = arith.constant 0 : index
    %get3A_1 = arith.constant 0 : index
    %get3A_2 = vector.load %arg2[%get3A, %get3A_0, %get3A_1] : memref<2x2000x128xf32, #tpu.memory_space<vmem>>, vector<1x2000x128xf32>
    %get3A_3 = vector.shape_cast %get3A_2 : vector<1x2000x128xf32> to vector<2000x128xf32>
    %get3A_4 = arith.constant 1 : index
    %get3A_5 = arith.constant 0 : index
    %get3A_6 = arith.constant 0 : index
    %get3A_7 = vector.load %arg2[%get3A_4, %get3A_5, %get3A_6] : memref<2x2000x128xf32, #tpu.memory_space<vmem>>, vector<1x2000x128xf32>
    %get3A_8 = vector.shape_cast %get3A_7 : vector<1x2000x128xf32> to vector<2000x128xf32>
    %add3A = arith.addf %get3A_3, %get3A_8 : vector<2000x128xf32>
    %get3A_9 = arith.constant 0 : index
    %get3A_10 = arith.constant 0 : index
    %get3A_11 = vector.load %arg3[%get3A_9, %get3A_10] : memref<2000x128xf32, #tpu.memory_space<vmem>>, vector<2000x128xf32>
    %add3A_12 = arith.addf %add3A, %get3A_11 : vector<2000x128xf32>
    %max3A = arith.constant 0.000000e+00 : f32
    %max3A_13 = vector.broadcast %max3A : f32 to vector<2000x128xf32>
    %max3A_14 = arith.maximumf %add3A_12, %max3A_13 : vector<2000x128xf32>
    %swap3A = arith.constant 0 : index
    %swap3A_15 = arith.constant 0 : index
    %swap3A_16 = vector.load %arg4[%swap3A, %swap3A_15] : memref<2000x128xf32, #tpu.memory_space<vmem>>, vector<2000x128xf32>
    tpu.vector_store %arg4[%swap3A, %swap3A_15], %max3A_14 {strides = array<i32>} : memref<2000x128xf32, #tpu.memory_space<vmem>>, vector<2000x128xf32>,
    %get3A_17 = arith.constant 0 : index
    %get3A_18 = arith.constant 0 : index
    %get3A_19 = vector.load %arg1[%get3A_17, %get3A_18] : memref<2000x128xf32, #tpu.memory_space<vmem>>, vector<2000x128xf32>
    %concatenate3A = tpu.concatenate %get3A_19, %max3A_14 in 1 : vector<2000x128xf32>, vector<2000x128xf32> -> vector<2000x256xf32>
    %swap3A_20 = arith.constant 0 : index
    %swap3A_21 = arith.constant 0 : index
    %swap3A_22 = vector.load %arg5[%swap3A_20, %swap3A_21] : memref<2000x256xf32, #tpu.memory_space<vmem>>, vector<2000x256xf32>
    tpu.vector_store %arg5[%swap3A_20, %swap3A_21], %concatenate3A {strides = array<i32>} : memref<2000x256xf32, #tpu.memory_space<vmem>>, vector<2000x256xf32>,
    return
  }
  func.func @transform_0(%arg0: i32) -> (i32, i32) {
    %c0_i32 = arith.constant 0 : i32
    %c0_i32_0 = arith.constant 0 : i32
    return %arg0, %c0_i32 : i32, i32
  }
  func.func @transform_1(%arg0: i32) -> (i32, i32, i32) {
    %c0_i32 = arith.constant 0 : i32
    %c0_i32_0 = arith.constant 0 : i32
    %c0_i32_1 = arith.constant 0 : i32
    return %c0_i32, %arg0, %c0_i32_0 : i32, i32, i32
  }
  func.func @transform_2(%arg0: i32) -> (i32, i32) {
    %c0_i32 = arith.constant 0 : i32
    %c0_i32_0 = arith.constant 0 : i32
    return %arg0, %c0_i32 : i32, i32
  }
  func.func @transform_3(%arg0: i32) -> (i32, i32) {
    %c0_i32 = arith.constant 0 : i32
    %c0_i32_0 = arith.constant 0 : i32
    return %arg0, %c0_i32 : i32, i32
  }
  func.func @transform_4(%arg0: i32) -> (i32, i32) {
    %c0_i32 = arith.constant 0 : i32
    %c0_i32_0 = arith.constant 0 : i32
    return %arg0, %c0_i32 : i32, i32
  }
}

module attributes {stable_mosaic.version = 14 : i64} {
  func.func @_proj_fused_body(%arg0: i32, %arg1: memref<5x2xf32, #tpu.memory_space<smem>>, %arg2: memref<2x2000x128xf32, #tpu.memory_space<vmem>>, %arg3: memref<2000x128xf32, #tpu.memory_space<vmem>>, %arg4: memref<2x128x128xf32, #tpu.memory_space<vmem>>, %arg5: memref<128x128xf32, #tpu.memory_space<vmem>>, %arg6: memref<1x128xf32, #tpu.memory_space<vmem>>, %arg7: memref<5x2000x128xf32, #tpu.memory_space<vmem>>, %arg8: memref<2000x128xf32, #tpu.memory_space<vmem>>) attributes {dimension_semantics = [#tpu.dimension_semantics<arbitrary>], iteration_bounds = array<i64: 5>, scalar_prefetch = 0 : i64, scratch_operands = 0 : i64, tpu.core_type = #tpu.core_type<tc>, window_params = [{transform_indices = @transform_0, window_bounds = array<i64: 5, 2>}, {transform_indices = @transform_1, window_bounds = array<i64: 2, 2000, 128>}, {transform_indices = @transform_2, window_bounds = array<i64: 2000, 128>}, {pipeline_mode = #tpu.pipeline_mode<synchronous>, transform_indices = @transform_3, window_bounds = array<i64: 2, 128, 128>}, {pipeline_mode = #tpu.pipeline_mode<synchronous>, transform_indices = @transform_4, window_bounds = array<i64: 128, 128>}, {pipeline_mode = #tpu.pipeline_mode<synchronous>, transform_indices = @transform_5, window_bounds = array<i64: 1, 128>}, {transform_indices = @transform_6, window_bounds = array<i64: 5, 2000, 128>}, {transform_indices = @transform_7, window_bounds = array<i64: 2000, 128>}]} {
    %get3A = arith.constant 0 : index
    %get3A_0 = arith.constant 0 : index
    %get3A_1 = arith.constant 0 : index
    %get3A_2 = vector.load %arg2[%get3A, %get3A_0, %get3A_1] : memref<2x2000x128xf32, #tpu.memory_space<vmem>>, vector<1x2000x128xf32>
    %get3A_3 = vector.shape_cast %get3A_2 : vector<1x2000x128xf32> to vector<2000x128xf32>
    %get3A_4 = arith.constant 1 : index
    %get3A_5 = arith.constant 0 : index
    %get3A_6 = arith.constant 0 : index
    %get3A_7 = vector.load %arg2[%get3A_4, %get3A_5, %get3A_6] : memref<2x2000x128xf32, #tpu.memory_space<vmem>>, vector<1x2000x128xf32>
    %get3A_8 = vector.shape_cast %get3A_7 : vector<1x2000x128xf32> to vector<2000x128xf32>
    %add3A = arith.addf %get3A_3, %get3A_8 : vector<2000x128xf32>
    %get3A_9 = arith.constant 0 : index
    %get3A_10 = arith.constant 0 : index
    %get3A_11 = vector.load %arg3[%get3A_9, %get3A_10] : memref<2000x128xf32, #tpu.memory_space<vmem>>, vector<2000x128xf32>
    %add3A_12 = arith.addf %add3A, %get3A_11 : vector<2000x128xf32>
    %max3A = arith.constant 0.000000e+00 : f32
    %max3A_13 = vector.broadcast %max3A : f32 to vector<2000x128xf32>
    %max3A_14 = arith.maximumf %add3A_12, %max3A_13 : vector<2000x128xf32>
    %get3A_15 = arith.constant 0 : index
    %get3A_16 = arith.constant 0 : index
    %get3A_17 = arith.constant 0 : index
    %get3A_18 = vector.load %arg4[%get3A_15, %get3A_16, %get3A_17] : memref<2x128x128xf32, #tpu.memory_space<vmem>>, vector<1x128x128xf32>
    %get3A_19 = vector.shape_cast %get3A_18 : vector<1x128x128xf32> to vector<128x128xf32>
    %get3A_20 = arith.constant 1 : index
    %get3A_21 = arith.constant 0 : index
    %get3A_22 = arith.constant 0 : index
    %get3A_23 = vector.load %arg4[%get3A_20, %get3A_21, %get3A_22] : memref<2x128x128xf32, #tpu.memory_space<vmem>>, vector<1x128x128xf32>
    %get3A_24 = vector.shape_cast %get3A_23 : vector<1x128x128xf32> to vector<128x128xf32>
    %get3A_25 = arith.constant 0 : index
    %get3A_26 = arith.constant 0 : index
    %get3A_27 = memref.load %arg1[%get3A_25, %get3A_26] : memref<5x2xf32, #tpu.memory_space<smem>>
    %mul3A = vector.broadcast %get3A_27 : f32 to vector<128x128xf32>
    %mul3A_28 = arith.mulf %mul3A, %get3A_19 : vector<128x128xf32>
    %get3A_29 = arith.constant 0 : index
    %get3A_30 = arith.constant 1 : index
    %get3A_31 = memref.load %arg1[%get3A_29, %get3A_30] : memref<5x2xf32, #tpu.memory_space<smem>>
    %mul3A_32 = vector.broadcast %get3A_31 : f32 to vector<128x128xf32>
    %mul3A_33 = arith.mulf %mul3A_32, %get3A_24 : vector<128x128xf32>
    %add3A_34 = arith.addf %mul3A_28, %mul3A_33 : vector<128x128xf32>
    %dot_general3A = arith.constant dense<0.000000e+00> : vector<2000x128xf32>
    %dot_general3A_35 = tpu.matmul %max3A_14, %add3A_34, %dot_general3A {dimension_numbers = #tpu.dot_dimension_numbers<[1], [0], [0], [1], [0, 0, 1, 1], [], []>, transpose_lhs_hint = false} : vector<2000x128xf32>, vector<128x128xf32>, vector<2000x128xf32> -> vector<2000x128xf32>
    %swap3A = arith.constant 0 : index
    %swap3A_36 = arith.constant 0 : index
    %swap3A_37 = arith.constant 0 : index
    %swap3A_38 = vector.load %arg7[%swap3A, %swap3A_36, %swap3A_37] : memref<5x2000x128xf32, #tpu.memory_space<vmem>>, vector<1x2000x128xf32>
    %swap3A_39 = vector.shape_cast %swap3A_38 : vector<1x2000x128xf32> to vector<2000x128xf32>
    %swap3A_40 = vector.shape_cast %dot_general3A_35 : vector<2000x128xf32> to vector<1x2000x128xf32>
    tpu.vector_store %arg7[%swap3A, %swap3A_36, %swap3A_37], %swap3A_40 {strides = array<i32>} : memref<5x2000x128xf32, #tpu.memory_space<vmem>>, vector<1x2000x128xf32>,
    %get3A_41 = arith.constant 1 : index
    %get3A_42 = arith.constant 0 : index
    %get3A_43 = memref.load %arg1[%get3A_41, %get3A_42] : memref<5x2xf32, #tpu.memory_space<smem>>
    %mul3A_44 = vector.broadcast %get3A_43 : f32 to vector<128x128xf32>
    %mul3A_45 = arith.mulf %mul3A_44, %get3A_19 : vector<128x128xf32>
    %get3A_46 = arith.constant 1 : index
    %get3A_47 = arith.constant 1 : index
    %get3A_48 = memref.load %arg1[%get3A_46, %get3A_47] : memref<5x2xf32, #tpu.memory_space<smem>>
    %mul3A_49 = vector.broadcast %get3A_48 : f32 to vector<128x128xf32>
    %mul3A_50 = arith.mulf %mul3A_49, %get3A_24 : vector<128x128xf32>
    %add3A_51 = arith.addf %mul3A_45, %mul3A_50 : vector<128x128xf32>
    %dot_general3A_52 = arith.constant dense<0.000000e+00> : vector<2000x128xf32>
    %dot_general3A_53 = tpu.matmul %max3A_14, %add3A_51, %dot_general3A_52 {dimension_numbers = #tpu.dot_dimension_numbers<[1], [0], [0], [1], [0, 0, 1, 1], [], []>, transpose_lhs_hint = false} : vector<2000x128xf32>, vector<128x128xf32>, vector<2000x128xf32> -> vector<2000x128xf32>
    %swap3A_54 = arith.constant 1 : index
    %swap3A_55 = arith.constant 0 : index
    %swap3A_56 = arith.constant 0 : index
    %swap3A_57 = vector.load %arg7[%swap3A_54, %swap3A_55, %swap3A_56] : memref<5x2000x128xf32, #tpu.memory_space<vmem>>, vector<1x2000x128xf32>
    %swap3A_58 = vector.shape_cast %swap3A_57 : vector<1x2000x128xf32> to vector<2000x128xf32>
    %swap3A_59 = vector.shape_cast %dot_general3A_53 : vector<2000x128xf32> to vector<1x2000x128xf32>
    tpu.vector_store %arg7[%swap3A_54, %swap3A_55, %swap3A_56], %swap3A_59 {strides = array<i32>} : memref<5x2000x128xf32, #tpu.memory_space<vmem>>, vector<1x2000x128xf32>,
    %get3A_60 = arith.constant 2 : index
    %get3A_61 = arith.constant 0 : index
    %get3A_62 = memref.load %arg1[%get3A_60, %get3A_61] : memref<5x2xf32, #tpu.memory_space<smem>>
    %mul3A_63 = vector.broadcast %get3A_62 : f32 to vector<128x128xf32>
    %mul3A_64 = arith.mulf %mul3A_63, %get3A_19 : vector<128x128xf32>
    %get3A_65 = arith.constant 2 : index
    %get3A_66 = arith.constant 1 : index
    %get3A_67 = memref.load %arg1[%get3A_65, %get3A_66] : memref<5x2xf32, #tpu.memory_space<smem>>
    %mul3A_68 = vector.broadcast %get3A_67 : f32 to vector<128x128xf32>
    %mul3A_69 = arith.mulf %mul3A_68, %get3A_24 : vector<128x128xf32>
    %add3A_70 = arith.addf %mul3A_64, %mul3A_69 : vector<128x128xf32>
    %dot_general3A_71 = arith.constant dense<0.000000e+00> : vector<2000x128xf32>
    %dot_general3A_72 = tpu.matmul %max3A_14, %add3A_70, %dot_general3A_71 {dimension_numbers = #tpu.dot_dimension_numbers<[1], [0], [0], [1], [0, 0, 1, 1], [], []>, transpose_lhs_hint = false} : vector<2000x128xf32>, vector<128x128xf32>, vector<2000x128xf32> -> vector<2000x128xf32>
    %swap3A_73 = arith.constant 2 : index
    %swap3A_74 = arith.constant 0 : index
    %swap3A_75 = arith.constant 0 : index
    %swap3A_76 = vector.load %arg7[%swap3A_73, %swap3A_74, %swap3A_75] : memref<5x2000x128xf32, #tpu.memory_space<vmem>>, vector<1x2000x128xf32>
    %swap3A_77 = vector.shape_cast %swap3A_76 : vector<1x2000x128xf32> to vector<2000x128xf32>
    %swap3A_78 = vector.shape_cast %dot_general3A_72 : vector<2000x128xf32> to vector<1x2000x128xf32>
    tpu.vector_store %arg7[%swap3A_73, %swap3A_74, %swap3A_75], %swap3A_78 {strides = array<i32>} : memref<5x2000x128xf32, #tpu.memory_space<vmem>>, vector<1x2000x128xf32>,
    %get3A_79 = arith.constant 3 : index
    %get3A_80 = arith.constant 0 : index
    %get3A_81 = memref.load %arg1[%get3A_79, %get3A_80] : memref<5x2xf32, #tpu.memory_space<smem>>
    %mul3A_82 = vector.broadcast %get3A_81 : f32 to vector<128x128xf32>
    %mul3A_83 = arith.mulf %mul3A_82, %get3A_19 : vector<128x128xf32>
    %get3A_84 = arith.constant 3 : index
    %get3A_85 = arith.constant 1 : index
    %get3A_86 = memref.load %arg1[%get3A_84, %get3A_85] : memref<5x2xf32, #tpu.memory_space<smem>>
    %mul3A_87 = vector.broadcast %get3A_86 : f32 to vector<128x128xf32>
    %mul3A_88 = arith.mulf %mul3A_87, %get3A_24 : vector<128x128xf32>
    %add3A_89 = arith.addf %mul3A_83, %mul3A_88 : vector<128x128xf32>
    %dot_general3A_90 = arith.constant dense<0.000000e+00> : vector<2000x128xf32>
    %dot_general3A_91 = tpu.matmul %max3A_14, %add3A_89, %dot_general3A_90 {dimension_numbers = #tpu.dot_dimension_numbers<[1], [0], [0], [1], [0, 0, 1, 1], [], []>, transpose_lhs_hint = false} : vector<2000x128xf32>, vector<128x128xf32>, vector<2000x128xf32> -> vector<2000x128xf32>
    %swap3A_92 = arith.constant 3 : index
    %swap3A_93 = arith.constant 0 : index
    %swap3A_94 = arith.constant 0 : index
    %swap3A_95 = vector.load %arg7[%swap3A_92, %swap3A_93, %swap3A_94] : memref<5x2000x128xf32, #tpu.memory_space<vmem>>, vector<1x2000x128xf32>
    %swap3A_96 = vector.shape_cast %swap3A_95 : vector<1x2000x128xf32> to vector<2000x128xf32>
    %swap3A_97 = vector.shape_cast %dot_general3A_91 : vector<2000x128xf32> to vector<1x2000x128xf32>
    tpu.vector_store %arg7[%swap3A_92, %swap3A_93, %swap3A_94], %swap3A_97 {strides = array<i32>} : memref<5x2000x128xf32, #tpu.memory_space<vmem>>, vector<1x2000x128xf32>,
    %get3A_98 = arith.constant 4 : index
    %get3A_99 = arith.constant 0 : index
    %get3A_100 = memref.load %arg1[%get3A_98, %get3A_99] : memref<5x2xf32, #tpu.memory_space<smem>>
    %mul3A_101 = vector.broadcast %get3A_100 : f32 to vector<128x128xf32>
    %mul3A_102 = arith.mulf %mul3A_101, %get3A_19 : vector<128x128xf32>
    %get3A_103 = arith.constant 4 : index
    %get3A_104 = arith.constant 1 : index
    %get3A_105 = memref.load %arg1[%get3A_103, %get3A_104] : memref<5x2xf32, #tpu.memory_space<smem>>
    %mul3A_106 = vector.broadcast %get3A_105 : f32 to vector<128x128xf32>
    %mul3A_107 = arith.mulf %mul3A_106, %get3A_24 : vector<128x128xf32>
    %add3A_108 = arith.addf %mul3A_102, %mul3A_107 : vector<128x128xf32>
    %dot_general3A_109 = arith.constant dense<0.000000e+00> : vector<2000x128xf32>
    %dot_general3A_110 = tpu.matmul %max3A_14, %add3A_108, %dot_general3A_109 {dimension_numbers = #tpu.dot_dimension_numbers<[1], [0], [0], [1], [0, 0, 1, 1], [], []>, transpose_lhs_hint = false} : vector<2000x128xf32>, vector<128x128xf32>, vector<2000x128xf32> -> vector<2000x128xf32>
    %swap3A_111 = arith.constant 4 : index
    %swap3A_112 = arith.constant 0 : index
    %swap3A_113 = arith.constant 0 : index
    %swap3A_114 = vector.load %arg7[%swap3A_111, %swap3A_112, %swap3A_113] : memref<5x2000x128xf32, #tpu.memory_space<vmem>>, vector<1x2000x128xf32>
    %swap3A_115 = vector.shape_cast %swap3A_114 : vector<1x2000x128xf32> to vector<2000x128xf32>
    %swap3A_116 = vector.shape_cast %dot_general3A_110 : vector<2000x128xf32> to vector<1x2000x128xf32>
    tpu.vector_store %arg7[%swap3A_111, %swap3A_112, %swap3A_113], %swap3A_116 {strides = array<i32>} : memref<5x2000x128xf32, #tpu.memory_space<vmem>>, vector<1x2000x128xf32>,
    %get3A_117 = arith.constant 0 : index
    %get3A_118 = arith.constant 0 : index
    %get3A_119 = vector.load %arg5[%get3A_117, %get3A_118] : memref<128x128xf32, #tpu.memory_space<vmem>>, vector<128x128xf32>
    %dot_general3A_120 = arith.constant dense<0.000000e+00> : vector<2000x128xf32>
    %dot_general3A_121 = tpu.matmul %max3A_14, %get3A_119, %dot_general3A_120 {dimension_numbers = #tpu.dot_dimension_numbers<[1], [0], [0], [1], [0, 0, 1, 1], [], []>, transpose_lhs_hint = false} : vector<2000x128xf32>, vector<128x128xf32>, vector<2000x128xf32> -> vector<2000x128xf32>
    %get3A_122 = arith.constant 0 : index
    %get3A_123 = arith.constant 0 : index
    %get3A_124 = vector.load %arg6[%get3A_122, %get3A_123] : memref<1x128xf32, #tpu.memory_space<vmem>>, vector<1x128xf32>
    %add3A_125 = vector.broadcast %get3A_124 : vector<1x128xf32> to vector<2000x128xf32>
    %add3A_126 = arith.addf %dot_general3A_121, %add3A_125 : vector<2000x128xf32>
    %swap3A_127 = arith.constant 0 : index
    %swap3A_128 = arith.constant 0 : index
    %swap3A_129 = vector.load %arg8[%swap3A_127, %swap3A_128] : memref<2000x128xf32, #tpu.memory_space<vmem>>, vector<2000x128xf32>
    tpu.vector_store %arg8[%swap3A_127, %swap3A_128], %add3A_126 {strides = array<i32>} : memref<2000x128xf32, #tpu.memory_space<vmem>>, vector<2000x128xf32>,
    return
  }
  func.func @transform_0(%arg0: i32) -> (i32, i32) {
    %c0_i32 = arith.constant 0 : i32
    %c0_i32_0 = arith.constant 0 : i32
    %c0_i32_1 = arith.constant 0 : i32
    return %c0_i32, %c0_i32_0 : i32, i32
  }
  func.func @transform_1(%arg0: i32) -> (i32, i32, i32) {
    %c0_i32 = arith.constant 0 : i32
    %c0_i32_0 = arith.constant 0 : i32
    %c0_i32_1 = arith.constant 0 : i32
    return %c0_i32, %arg0, %c0_i32_0 : i32, i32, i32
  }
  func.func @transform_2(%arg0: i32) -> (i32, i32) {
    %c0_i32 = arith.constant 0 : i32
    %c0_i32_0 = arith.constant 0 : i32
    return %arg0, %c0_i32 : i32, i32
  }
  func.func @transform_3(%arg0: i32) -> (i32, i32, i32) {
    %c0_i32 = arith.constant 0 : i32
    %c0_i32_0 = arith.constant 0 : i32
    %c0_i32_1 = arith.constant 0 : i32
    %c0_i32_2 = arith.constant 0 : i32
    return %c0_i32, %c0_i32_0, %c0_i32_1 : i32, i32, i32
  }
  func.func @transform_4(%arg0: i32) -> (i32, i32) {
    %c0_i32 = arith.constant 0 : i32
    %c0_i32_0 = arith.constant 0 : i32
    %c0_i32_1 = arith.constant 0 : i32
    return %c0_i32, %c0_i32_0 : i32, i32
  }
  func.func @transform_5(%arg0: i32) -> (i32, i32) {
    %c0_i32 = arith.constant 0 : i32
    %c0_i32_0 = arith.constant 0 : i32
    %c0_i32_1 = arith.constant 0 : i32
    return %c0_i32, %c0_i32_0 : i32, i32
  }
  func.func @transform_6(%arg0: i32) -> (i32, i32, i32) {
    %c0_i32 = arith.constant 0 : i32
    %c0_i32_0 = arith.constant 0 : i32
    %c0_i32_1 = arith.constant 0 : i32
    return %c0_i32, %arg0, %c0_i32_0 : i32, i32, i32
  }
  func.func @transform_7(%arg0: i32) -> (i32, i32) {
    %c0_i32 = arith.constant 0 : i32
    %c0_i32_0 = arith.constant 0 : i32
    return %arg0, %c0_i32 : i32, i32
  }
}

</mosaic_0001>

<sc_bundles>
// kernel: kernel.10.cloned.1.call-start
scs
__scs_entry_jumppad:
0x0: {  	(pc) =	sbr.rel $0x88, $3  }
0x1: {  	(tag) =	ssettag $0x0;
	lr =	simm.s32 $0x1  }
0x2: {  	[smem:$0x3F96] =	sst lr;
	_ =	strace $0xD0000000  }
0x3: {  	_ = 	snop  }
0x4: {  	_ = 	snop  }
0x5: {  	_ = 	snop  }
0x6: {  	_ = 	snop  }
0x7: {  	_ = 	snop  }
__scs_overlays_trampoline_lowered:
0x8: {  	[smem:$0x3FA5] =	sst s0  }
0x9: {  	[smem:$0x3FA6] =	sst s1  }
0xa: {  	[smem:$0x3FA7] =	sst s2  }
0xb: {  	[smem:$0x3FA8] =	sst s3  }
0xc: {  	[smem:$0x3FA9] =	sst s4  }
0xd: {  	[smem:$0x3FAA] =	sst s5  }
0xe: {  	[smem:$0x3FAB] =	sst s6  }
0xf: {  	[smem:$0x3FAC] =	sst s7  }
0x10: {  	[smem:$0x3FAD] =	sst s8  }
0x11: {  	[smem:$0x3FAE] =	sst s9;
	s0 =	simm.s32 @!p0 $0x0  }
0x12: {  	s1 =	sld [smem:$0x3F94];
	s0 =	simm.s32 @p0 $0x1  }
0x13: {  	[smem:$0x3FAF] =	sst s0;
	s0 =	simm.s32 @!p1 $0x0  }
0x14: {  	s2 =	sld [smem:$0x3F93];
	s0 =	simm.s32 @p1 $0x1  }
0x15: {  	[smem:$0x3FB0] =	sst s0;
	s0 =	simm.s32 @!p2 $0x0  }
0x16: {  	s3 =	sld [smem:$0x3FDB];
	s0 =	simm.s32 @p2 $0x1  }
0x17: {  	s4 =	simm.s32 $0x1BF5;
	[smem:$0x3FB2] =	sst s0  }
0x18: {  	s0 =	sld [smem:$0x3F95];
	_ =	swait.ge [sflag:s4], $0x0  }
0x19: {  	s7 =	sld [smem:$0x3F96]  }
0x1a: {  	s8 =	sadd.s32 $0xFFFFE003, lr  }
0x1b: {  	s9 =	sadd.s32 $0xFFFFFEF7, lr;
	s5 =	simm.s32 $0xFFFFFFFF;
	p2 =	slt.u32 s8, $0xFFFFF086  }
0x1c: {  	p1 =	slt.u32 s9, $0xF7A;
	s5 =	simm.s32 @!p2 $0x0  }
0x1d: {  	s5 =	simm.s32 @p1 $0x1;
	p0 =	seq.s32 s7, s2  }
0x1e: {  	s7 =	smul.u32 @!p0 $0xF7A, s2;
	p2 =	seq.s32 @!p0 s5, $0x0  }
0x1f: {  	s9 =	smul.u32 $0xF7A, s1;
	s8 =	simm.s32 @!p0 $0x1BF5;
	p2 =	por !p2, p0  }
0x20: {  	[sflag:s8] =	ssyncset.s32 @!p0 $0xFFFFF086;
	s6 =	sadd.s32 @!p0 s3, s7;
	s7 =	simm.s32 @!p0 $0x108  }
0x21: {  	s3 =	sadd.s32 s3, s9;
	s6 =	sadd.s32 @!p0 $0x88, s6;
	s7 =	simm.s32 @p2 $0x1082  }
0x22: {  	[simem:s7], [sflag:s8] =	dma.local @!p0 [hbm:s6], $0xF7A  }
0x23: {  	s9 =	sor.u32 $0xD0000000, s2;
	s6 =	simm.s32 $0x108;
	_ =	swait.ge @!p0 [sflag:s8], $0x0  }
0x24: {  	s3 =	sadd.s32 $0x88, s3;
	s6 =	simm.s32 @!p1 $0x1082;
	[sflag:s4] =	ssyncset.s32 $0xFFFFF086  }
0x25: {  	[simem:s6], [sflag:s4] =	dma.local [hbm:s3], $0xF7A  }
0x26: {  	[smem:$0x3F96] =	sst s1;
	(tag) =	ssettag s2;
	_ =	strace s9  }
0x27: {  	s1 =	sld [smem:$0x3FA6]  }
0x28: {  	s2 =	sld [smem:$0x3FA7]  }
0x29: {  	s4 =	sld [smem:$0x3FA9]  }
0x2a: {  	p0 =	seq.s32 s5, $0x0;
	s5 =	sld [smem:$0x3FAA]  }
0x2b: {  	s6 =	sld [smem:$0x3FAB]  }
0x2c: {  	s7 =	sld [smem:$0x3FAC]  }
0x2d: {  	s3 =	simm.s32 $0x108;
	s8 =	sld [smem:$0x3FAD]  }
0x2e: {  	s3 =	simm.s32 @!p0 $0x1082;
	s9 =	sld [smem:$0x3FAE]  }
0x2f: {  	lr =	sadd.s32 s0, s3;
	s0 =	sld [smem:$0x3FA5]  }
0x30: {  	s3 =	sld [smem:$0x3FA8]  }
0x31: {  	[smem:$0x3FB1] =	sst s10  }
0x32: {  	s10 =	sld [smem:$0x3FAF];
	_ =	sdelay $0x3  }
0x33: {  	p0 =	seq.s32 s10, $0x1;
	s10 =	sld [smem:$0x3FB1];
	_ =	sdelay $0x3  }
0x34: {  	[smem:$0x3FB1] =	sst s10  }
0x35: {  	s10 =	sld [smem:$0x3FB0];
	_ =	sdelay $0x3  }
0x36: {  	p1 =	seq.s32 s10, $0x1;
	s10 =	sld [smem:$0x3FB1];
	_ =	sdelay $0x3  }
0x37: {  	[smem:$0x3FB1] =	sst s10  }
0x38: {  	s10 =	sld [smem:$0x3FB2]  }
0x39: {  	_ = 	snop;
	(pc) =	sbr.ind lr, $3  }
0x3a: {  	_ = 	snop  }
0x3b: {  	_ = 	snop  }
0x3c: {  	p2 =	seq.s32 s10, $0x1;
	s10 =	sld [smem:$0x3FB1]  }
0x3d: {  	_ =	shalt  }
0x3e: {  	_ =	shalt  }
0x3f: {  	_ =	shalt  }
0x40: {  	_ =	shalt  }
0x41: {  	_ =	shalt  }
0x42: {  	_ =	shalt  }
0x43: {  	_ =	shalt  }
0x44: {  	_ =	shalt  }
0x45: {  	_ =	shalt  }
0x46: {  	_ =	shalt  }
0x47: {  	_ =	shalt  }
0x48: {  	_ =	shalt  }
0x49: {  	_ =	shalt  }
0x4a: {  	_ =	shalt  }
0x4b: {  	_ =	shalt  }
0x4c: {  	_ =	shalt  }
0x4d: {  	_ =	shalt  }
0x4e: {  	_ =	shalt  }
0x4f: {  	_ =	shalt  }
0x50: {  	_ =	shalt  }
0x51: {  	_ =	shalt  }
0x52: {  	_ =	shalt  }
0x53: {  	_ =	shalt  }
0x54: {  	_ =	shalt  }
0x55: {  	_ =	shalt  }
0x56: {  	_ =	shalt  }
0x57: {  	_ =	shalt  }
0x58: {  	_ =	shalt  }
0x59: {  	_ =	shalt  }
0x5a: {  	_ =	shalt  }
0x5b: {  	_ =	shalt  }
0x5c: {  	_ =	shalt  }
0x5d: {  	_ =	shalt  }
0x5e: {  	_ =	shalt  }
0x5f: {  	_ =	shalt  }
0x60: {  	_ =	shalt  }
0x61: {  	_ =	shalt  }
0x62: {  	_ =	shalt  }
0x63: {  	_ =	shalt  }
0x64: {  	_ =	shalt  }
0x65: {  	_ =	shalt  }
0x66: {  	_ =	shalt  }
0x67: {  	_ =	shalt  }
0x68: {  	_ =	shalt  }
0x69: {  	_ =	shalt  }
0x6a: {  	_ =	shalt  }
0x6b: {  	_ =	shalt  }
0x6c: {  	_ =	shalt  }
0x6d: {  	_ =	shalt  }
0x6e: {  	_ =	shalt  }
0x6f: {  	_ =	shalt  }
0x70: {  	_ =	shalt  }
0x71: {  	_ =	shalt  }
0x72: {  	_ =	shalt  }
0x73: {  	_ =	shalt  }
0x74: {  	_ =	shalt  }
0x75: {  	_ =	shalt  }
0x76: {  	_ =	shalt  }
0x77: {  	_ =	shalt  }
0x78: {  	_ =	shalt  }
0x79: {  	_ =	shalt  }
0x7a: {  	_ =	shalt  }
0x7b: {  	_ =	shalt  }
0x7c: {  	_ =	shalt  }
0x7d: {  	_ =	shalt  }
0x7e: {  	_ =	shalt  }
0x7f: {  	_ =	shalt  }
0x80: {  	_ =	shalt  }
0x81: {  	_ =	shalt  }
0x82: {  	_ =	shalt  }
0x83: {  	_ =	shalt  }
0x84: {  	_ =	shalt  }
0x85: {  	_ =	shalt  }
0x86: {  	_ =	shalt  }
0x87: {  	_ =	shalt  }
.Lfunc_end0:
.L_simem_size_0:
called_computation.1_lowered:
.L_overlay_start_0:
0x88: {  	s2 =	sld [smem:$0x3FD9]  }
0x89: {  	s3 =	sld [smem:$0x3FFE];
	_ =	sdelay $0x1  }
0x8a: {  	s1 =	srdreg.scid  }
0x8b: {  	s0 =	sand.u32 $0x1, s1  }
0x8c: {  	s14 =	sshll.u32 s0, $0xA;
	s2 =	sadd.s32 s3, s2  }
0x8d: {  	s2 =	sadd.s32 s2, s14  }
0x8e: {  	[smem:$0x3FBD] =	sst s2  }
0x8f: {  	_ = 	snop  }
0x90: {  	s2 =	sld [smem:$0x3FD0];
	_ =	sdelay $0x2  }
0x91: {  	s15 =	simm.s32 $0xA;
	s4 =	simm.s32 $0x10  }
0x92: {  	[smem:s4], [sflag:s15] =	dma.local [hbm:s2], $0x1  }
0x93: {  	_ =	swait.eq [sflag:s15], $0x1  }
0x94: {  	s16 =	sld [smem:$0x10];
	[sflag:s15] =	ssyncset.done $0x0  }
0x95: {  	s17 =	sld [smem:$0x11];
	[sflag:s15] =	ssyncadd.s32 $0xFFFFFFFF  }
0x96: {  	s18 =	sld [smem:$0x12];
	(tm) =	ssettm $0x1  }
0x97: {  	s5 =	sld [smem:$0x3FFB];
	_ =	sdelay $0x3  }
0x98: {  	_ =	strace s5  }
0x99: {  	s5 =	sld [smem:$0x3FFC];
	_ =	sdelay $0x3  }
0x9a: {  	_ =	strace s5  }
0x9b: {  	s5 =	sld [smem:$0x3FFD];
	_ =	sdelay $0x3  }
0x9c: {  	_ =	strace s5  }
0x9d: {  	_ =	strace $0x8FFFFFFF  }
0x9e: {  	s19 =	sld [smem:$0x3FDB];
	_ =	sdelay $0x1  }
0x9f: {  	s6 =	simm.s32 $_scs_section_size  }
0xa0: {  	s7 =	simm.s32 $_size__tile_overlayer_lowered;
	s8 =	simm.s32 $_tile_overlayer_lowered  }
0xa1: {  	s22 =	simm.s32 $0x1BFF;
	s21 =	sshll.u32 s8, $0x1;
	s5 =	sadd.s32 s6, s19  }
0xa2: {  	s9 =	simm.s32 $0x0;
	s20 =	sshll.u32 s7, $0x1;
	s7 =	sadd.s32 s21, s5  }
0xa3: {  	[timem:s9], [sflag:s22] =	dma.local [hbm:s7], s20  }
0xa4: {  	_ =	swait.ge [sflag:s22], s20  }
0xa5: {  	s6 =	ssub.s32 $0x0, s20;
	[sflag:s22] =	ssyncset.done $0x0  }
0xa6: {  	[sflag:s22] =	ssyncadd.s32 s6;
	_ =	sdelay $0x1  }
0xa7: {  	s23 =	simm.s32 $0x1B8B  }
0xa8: {  	_ =	swait.ge [sflag:s23], $0x1  }
0xa9: {  	[sflag:s23] =	ssyncset.done $0x0  }
0xaa: {  	s25 =	simm.s32 $0x1B8E;
	s24 =	sld [smem:$0x3FFE];
	[sflag:s23] =	ssyncadd.s32 $0xFFFFFFFF  }
0xab: {  	s26 =	simm.s32 $execute0_lowered;
	[smem:$0x3FD2] =	sst s25  }
0xac: {  	s7 =	sshll.u32 s26, $0x1;
	_ =	strace $0x80000049;
	[dreg:$0x1] =	wrdreg $0xFFFFFFFF  }
0xad: {  	s28 =	simm.s32 $_size_execute0_lowered;
	s5 =	sadd.s32 s5, s7;
	[dreg:$0x0] =	wrdreg $0x0  }
0xae: {  	s7 =	sshll.u32 s28, $0x1;
	[dreg:$0x2] =	wrdreg s5  }
0xaf: {  	[dreg:$0x3] =	wrdreg s7  }
0xb0: {  	[dreg:$0x4] =	wrdreg $0xC0  }
0xb1: {  	_ =	task [dreg:s9], $0x5FFFF  }
0xb2: {  	[dreg:$0x1] =	wrdreg $0xFFFFFFFF  }
0xb3: {  	[dreg:$0x0] =	wrdreg $0x60  }
0xb4: {  	[dreg:$0x2] =	wrdreg s24  }
0xb5: {  	[dreg:$0x3] =	wrdreg s17  }
0xb6: {  	[dreg:$0x4] =	wrdreg s16  }
0xb7: {  	[dreg:$0x5] =	wrdreg s18  }
0xb8: {  	[dreg:$0x6] =	wrdreg $0xA9000  }
0xb9: {  	[dreg:$0x7] =	wrdreg $0x9  }
0xba: {  	_ =	task.clear_ibuf [dreg:s9], $0x8FFFF;
	_ =	strace $0x90000049  }
0xbb: {  	s29 =	simm.s32 $0x9;
	_ =	strace $0x8000004B  }
0xbc: {  	_ =	swait.ge [sflag:s29], $0x1  }
0xbd: {  	[sflag:s29] =	ssyncadd.s32 $0xFFFFFFFF  }
0xbe: {  	_ =	strace $0x9000004B  }
0xbf: {  	_ =	sfence  }
0xc0: {  	s30 =	sld [smem:$0x0];
	_ =	sdelay $0x2  }
0xc1: {  	s31 =	sshll.u32 s1, $0xD;
	s1 =	sshrl.u32 s1, $0x2  }
0xc2: {  	s3 =	sand.u32 $0x4000, s31;
	s1 =	sadd.s32 s1, s30  }
0xc3: {  	s0 =	sor.u32 s3, s0;
	s1 =	sshll.u32 s1, $0x11  }
0xc4: {  	s0 =	sor.u32 s1, s0  }
0xc5: {  	s0 =	sadd.s32 $0x8F2B, s0  }
0xc6: {  	[sflag:s0] =	ssyncadd.remote.s32 $0x1  }
0xc7: {  	_ =	sfence.sel $0xFFFF  }
0xc8: {  	[dreg:$0x0] =	wrdreg $0xFFFFFFFF;
	(pc) =	sbr.abs _section_cstart, $3  }
0xc9: {  	[dreg:$0x1] =	wrdreg $0xFFFFFFFF  }
0xca: {  	_ =	task.clear_ibuf [dreg:s9], $0x2FFFF;
	_ =	strace $0x9FFFFFFF  }
0xcb: {  	(tm) =	ssettm $0x7FFFFFFF  }
tec
execute0_lowered:
.L_overlay_start_1:
0x0: {  	(tag) =	ssettag $0x1  }
0x1: {  	s8 =	rddreg [dreg:$0x0]  }
0x2: {  	s9 =	rddreg [dreg:$0x1]  }
0x3: {  	s1 =	rddreg [dreg:$0x2]  }
0x4: {  	s3 =	rddreg [dreg:$0x4];
	s4 =	srdreg.scid  }
0x5: {  	s5 =	simm.s32 $0x0;
	s0 =	stileid.u32;
	s16 =	simm.s32 $0x2800  }
0x6: {  	s17 =	simm.s32 $0x80;
	s18 =	simm.s32 $0x2900;
	s19 =	simm.s32 $0x2880  }
0x7: {  	s20 =	simm.s32 $0x6900;
	s21 =	simm.s32 $0x1;
	s22 =	simm.s32 $0x5  }
0x8: {  	s23 =	simm.s32 $0x3;
	s24 =	simm.s32 $0x2;
	s25 =	simm.s32 $0x6  }
0x9: {  	s28 =	simm.s32 $0x0;
	s10 =	sand.u32 $0x1, s4;
	s11 =	smul.u32 $0x13C00, s0  }
0xa: {  	[smem:$0x7FF] =	sst s5;
	s6 =	sshll.u32 s0, $0x1;
	s26 =	smul.u32 $0x4F000, s0  }
0xb: {  	s31 =	sshll.u32 s0, $0x6;
	s7 =	smul.u32 $0x13C000, s10;
	_ =	strace $0x8000004A  }
0xc: {  	s12 =	sor.u32 s10, s6;
	s6 =	sadd.s32 $0x2A00, s8;
	s10 =	ssub.s32 $0x2, s10  }
0xd: {  	s29 =	sshrl.u32 s10, $0x1;
	s30 =	sshrl.u32 s26, $0x2;
	s26 =	simm.s32 $0x4  }
0xe: {  	s11 =	sadd.s32 s11, s7;
	s7 =	smul.u32 $0x2800, s12;
	s14 =	ssub.s32 s10, s29  }
0xf: {  	s15 =	sadd.s32 s30, s3;
	s11 =	sshrl.u32 s11, $0x3;
	s12 =	smax.u32 s14, $0x1  }
0x10: {  	s14 =	sor.u32 $0x1C07, s31;
	s15 =	sshrl.u32 s15, $0x3;
	s13 =	sshrl.u32 s7, $0x3  }
0x11: {  	s11 =	sadd.s32 s11, s8;
	s8 =	sadd.s32 s1, s13;
	s9 =	sadd.s32 s9, s13  }
0x12: {  	s11 =	sadd.s32 $0xC6000, s11;
	s13 =	simm.s32 $0x7;
	s10 =	sadd.s32 $0x10, s8  }
.LBB2_1:
0x13: {  	[tilespmem:s5], [sflag:$0x7] =	stream.linear.gather [hbm4b:s9+s5], $0x2800, $0x38;
	[tilespmem:$0x1E500] =	vst v63  }
0x14: {  	_ =	swait.ge [sflag:s13], $0x2800  }
0x15: {  	[sflag:s13] =	ssyncset.done $0x0  }
0x16: {  	[sflag:s13] =	ssyncadd.s32 $0xFFFFD800  }
0x17: {  	s0 =	rddreg [dreg:$0x3]  }
0x18: {  	[spmem:s15], [sflag:s14] =	dma.local [hbm:s0], $0x2780  }
0x19: {  	_ =	swait.ge [sflag:s13], $0x2780  }
0x1a: {  	[sflag:s13] =	ssyncset.done $0x0  }
0x1b: {  	[sflag:s13] =	ssyncadd.s32 $0xFFFFD880  }
0x1c: {  	[bflag:$0x0] =	sbarrier.arrive $0xFFFF  }
0x1d: {  	[tilespmem:s16], [sflag:$0x5] =	stream.linear.gather [hbm4b:s8+s5], $0x80, $0x38;
	[tilespmem:$0x1E500] =	vst v63  }
0x1e: {  	_ = 	snop  }
0x1f: {  	[tilespmem:s18], [sflag:$0x1] =	stream.indirect.gather [hbm4b:s6+s17], $0x80, s5, s17, $0xb8;
	[tilespmem:$0x1E500] =	vst v63  }
0x20: {  	_ = 	snop  }
0x21: {  	[tilespmem:s19], [sflag:$0x6] =	stream.linear.gather [hbm4b:s10+s5], $0x80, $0x38;
	[tilespmem:$0x1E500] =	vst v63  }
0x22: {  	_ = 	snop  }
0x23: {  	[tilespmem:s20], [sflag:$0x2] =	stream.indirect.gather [hbm4b:s6+s17], $0x80, s17, s17, $0xb8;
	[tilespmem:$0x1E500] =	vst v63  }
0x24: {  	_ =	swait.ge [sflag:s21], $0x4000  }
0x25: {  	[sflag:s21] =	ssyncset.done $0x0  }
0x26: {  	[sflag:s21] =	ssyncadd.s32 $0xFFFFC000  }
0x27: {  	s29 =	simm.s32 $0x100;
	_ =	swait.ge [sflag:s22], $0x80  }
0x28: {  	s30 =	sand.u32 $0x7C00, s29;
	[sflag:s22] =	ssyncset.done $0x0  }
0x29: {  	s29 =	sand.u32 $0x300, s29;
	s30 =	sadd.s32 s7, s30;
	[sflag:s22] =	ssyncadd.s32 $0xFFFFFF80  }
0x2a: {  	[spmem:s3] =	stream.indirect.scatter.add.f32 [tilespmem:s18], [sflag:$0x3], $0x80, s16, s17, $0xb8;
	[tilespmem:$0x1E500] =	vst v63  }
0x2b: {  	s29 =	sor.u32 s29, s30;
	_ =	swait.ge [sflag:s23], $0x4000  }
0x2c: {  	s29 =	sshrl.u32 s29, $0x3;
	[sflag:s23] =	ssyncset.done $0x0  }
0x2d: {  	s29 =	sadd.s32 s1, s29;
	[sflag:s23] =	ssyncadd.s32 $0xFFFFC000  }
0x2e: {  	[tilespmem:s16], [sflag:$0x5] =	stream.linear.gather [hbm4b:s29+s5], $0x80, $0x38;
	[tilespmem:$0x1E500] =	vst v63  }
0x2f: {  	s29 =	simm.s32 $0x100  }
0x30: {  	[tilespmem:s18], [sflag:$0x1] =	stream.indirect.gather [hbm4b:s6+s17], $0x80, s29, s17, $0xb8;
	[tilespmem:$0x1E500] =	vst v63  }
0x31: {  	_ =	swait.ge [sflag:s24], $0x4000  }
0x32: {  	[sflag:s24] =	ssyncset.done $0x0  }
0x33: {  	[sflag:s24] =	ssyncadd.s32 $0xFFFFC000  }
0x34: {  	s29 =	simm.s32 $0x180;
	_ =	swait.ge [sflag:s25], $0x80  }
0x35: {  	s30 =	sand.u32 $0x7C00, s29;
	[sflag:s25] =	ssyncset.done $0x0  }
0x36: {  	s29 =	sand.u32 $0x380, s29;
	s30 =	sadd.s32 s7, s30;
	[sflag:s25] =	ssyncadd.s32 $0xFFFFFF80  }
0x37: {  	[spmem:s3] =	stream.indirect.scatter.add.f32 [tilespmem:s20], [sflag:$0x4], $0x80, s19, s17, $0xb8;
	[tilespmem:$0x1E500] =	vst v63  }
0x38: {  	s29 =	sor.u32 s29, s30;
	_ =	swait.ge [sflag:s26], $0x4000  }
0x39: {  	s29 =	sshrl.u32 s29, $0x3;
	[sflag:s26] =	ssyncset.done $0x0  }
0x3a: {  	s29 =	sadd.s32 s1, s29;
	[sflag:s26] =	ssyncadd.s32 $0xFFFFC000  }
0x3b: {  	[tilespmem:s19], [sflag:$0x6] =	stream.linear.gather [hbm4b:s29+s5], $0x80, $0x38;
	[tilespmem:$0x1E500] =	vst v63  }
0x3c: {  	s31 =	simm.s32 $0x200;
	s30 =	simm.s32 $0x180;
	s29 =	simm.s32 $0x280  }
.LBB2_2:
0x3d: {  	s0 =	sadd.s32 $0x80, s31  }
0x3e: {  	p0 =	sne.s32 s29, $0x2780;
	s4 =	smov.u32 s29;
	s29 =	sadd.s32 $0x100, s29  }
0x3f: {  	[tilespmem:s20], [sflag:$0x2] =	stream.indirect.gather [hbm4b:s6+s17], $0x80, s30, s17, $0xb8;
	[tilespmem:$0x1E500] =	vst v63  }
0x40: {  	s30 =	smov.u32 s0;
	_ =	swait.ge [sflag:s21], $0x4000  }
0x41: {  	[sflag:s21] =	ssyncset.done $0x0  }
0x42: {  	[sflag:s21] =	ssyncadd.s32 $0xFFFFC000  }
0x43: {  	_ =	swait.ge [sflag:s22], $0x80  }
0x44: {  	s0 =	sadd.s32 $0xFFFFFF80, s4;
	[sflag:s22] =	ssyncset.done $0x0  }
0x45: {  	s2 =	sand.u32 $0x7C00, s0;
	s0 =	sand.u32 $0x300, s0;
	[sflag:s22] =	ssyncadd.s32 $0xFFFFFF80  }
0x46: {  	[spmem:s3] =	stream.indirect.scatter.add.f32 [tilespmem:s18], [sflag:$0x3], $0x80, s16, s17, $0xb8;
	[tilespmem:$0x1E500] =	vst v63  }
0x47: {  	s2 =	sadd.s32 s7, s2;
	_ =	swait.ge [sflag:s23], $0x4000  }
0x48: {  	s0 =	sor.u32 s0, s2;
	[sflag:s23] =	ssyncset.done $0x0  }
0x49: {  	s0 =	sshrl.u32 s0, $0x3;
	[sflag:s23] =	ssyncadd.s32 $0xFFFFC000  }
0x4a: {  	s0 =	sadd.s32 s1, s0  }
0x4b: {  	[tilespmem:s16], [sflag:$0x5] =	stream.linear.gather [hbm4b:s0+s5], $0x80, $0x38;
	[tilespmem:$0x1E500] =	vst v63  }
0x4c: {  	_ = 	snop  }
0x4d: {  	[tilespmem:s18], [sflag:$0x1] =	stream.indirect.gather [hbm4b:s6+s17], $0x80, s31, s17, $0xb8;
	[tilespmem:$0x1E500] =	vst v63  }
0x4e: {  	_ =	swait.ge [sflag:s24], $0x4000  }
0x4f: {  	[sflag:s24] =	ssyncset.done $0x0  }
0x50: {  	[sflag:s24] =	ssyncadd.s32 $0xFFFFC000  }
0x51: {  	_ =	swait.ge [sflag:s25], $0x80  }
0x52: {  	s0 =	sand.u32 $0x7C00, s4;
	[sflag:s25] =	ssyncset.done $0x0  }
0x53: {  	s2 =	sand.u32 $0x380, s4;
	s0 =	sadd.s32 s7, s0;
	[sflag:s25] =	ssyncadd.s32 $0xFFFFFF80  }
0x54: {  	[spmem:s3] =	stream.indirect.scatter.add.f32 [tilespmem:s20], [sflag:$0x4], $0x80, s19, s17, $0xb8;
	[tilespmem:$0x1E500] =	vst v63  }
.Ltmp0:
0x55: {  	_ = 	snop;
	(pc) =	sbr.rel @p0 .LBB2_2-.Ltmp0, $4  }
0x56: {  	s0 =	sor.u32 s2, s0;
	_ =	swait.ge [sflag:s26], $0x4000  }
0x57: {  	s0 =	sshrl.u32 s0, $0x3;
	[sflag:s26] =	ssyncset.done $0x0  }
0x58: {  	s31 =	sadd.s32 $0x100, s31;
	s0 =	sadd.s32 s1, s0;
	[sflag:s26] =	ssyncadd.s32 $0xFFFFC000  }
0x59: {  	[tilespmem:s19], [sflag:$0x6] =	stream.linear.gather [hbm4b:s0+s5], $0x80, $0x38;
	[tilespmem:$0x1E500] =	vst v63  }
0x5a: {  	[tilespmem:s20], [sflag:$0x2] =	stream.indirect.gather [hbm4b:s6+s17], $0x80, s30, s17, $0xb8;
	[tilespmem:$0x1E500] =	vst v63  }
0x5b: {  	_ =	swait.ge [sflag:s21], $0x4000  }
0x5c: {  	[sflag:s21] =	ssyncset.done $0x0  }
0x5d: {  	[sflag:s21] =	ssyncadd.s32 $0xFFFFC000  }
0x5e: {  	_ =	swait.ge [sflag:s22], $0x80  }
0x5f: {  	[sflag:s22] =	ssyncset.done $0x0  }
0x60: {  	[sflag:s22] =	ssyncadd.s32 $0xFFFFFF80  }
0x61: {  	[spmem:s3] =	stream.indirect.scatter.add.f32 [tilespmem:s18], [sflag:$0x3], $0x80, s16, s17, $0xb8;
	[tilespmem:$0x1E500] =	vst v63  }
0x62: {  	_ =	swait.ge [sflag:s24], $0x4000  }
0x63: {  	[sflag:s24] =	ssyncset.done $0x0  }
0x64: {  	[sflag:s24] =	ssyncadd.s32 $0xFFFFC000  }
0x65: {  	_ =	swait.ge [sflag:s25], $0x80  }
0x66: {  	[sflag:s25] =	ssyncset.done $0x0  }
0x67: {  	[sflag:s25] =	ssyncadd.s32 $0xFFFFFF80  }
0x68: {  	[spmem:s3] =	stream.indirect.scatter.add.f32 [tilespmem:s20], [sflag:$0x4], $0x80, s19, s17, $0xb8;
	[tilespmem:$0x1E500] =	vst v63  }
0x69: {  	_ =	swait.ge [sflag:s23], $0x4000  }
0x6a: {  	[sflag:s23] =	ssyncset.done $0x0  }
0x6b: {  	[sflag:s23] =	ssyncadd.s32 $0xFFFFC000  }
0x6c: {  	_ =	swait.ge [sflag:s26], $0x4000  }
0x6d: {  	s28 =	sadd.s32 $0x1, s28;
	[sflag:s26] =	ssyncset.done $0x0  }
0x6e: {  	p0 =	sne.s32 s28, s12;
	[sflag:s26] =	ssyncadd.s32 $0xFFFFC000  }
.Ltmp1:
0x6f: {  	[bflag:$0x0] =	sbarrier.arrive $0xFFFF;
	(pc) =	sbr.rel @p0 .LBB2_1-.Ltmp1, $4  }
0x70: {  	[hbm:s11], [sflag:s14] =	dma.local [spmem:s15], $0x2780  }
0x71: {  	_ =	swait.ge [sflag:s13], $0x2780  }
0x72: {  	[sflag:s13] =	ssyncset.done $0x0  }
0x73: {  	[sflag:s13] =	ssyncadd.s32 $0xFFFFD880  }
0x74: {  	_ =	sfence.sel $0x180000  }
0x75: {  	[bflag:$0x0] =	sbarrier.arrive $0xFFFF  }
0x76: {  	_ =	strace $0x9000004A  }
0x77: {  	s0 =	stileid.u32;
	[bflag:$0x2] =	sbarrier.arrive $0xFFFF  }
0x78: {  	p0 =	sne.s32 s0, $0x0;
	s0 =	rddreg [dreg:$0x5]  }
0x79: {  	s0 =	sadd.s32 @!p0 $0x100000, s0  }
0x7a: {  	[sflag:s0] =	ssyncadd.tile.s32 @!p0 $0x1;
	_ =	shalt  }
.Lfunc_end2:
_tile_overlayer_lowered:
.L_overlay_start_2:
0x7b: {  	(tag) =	ssettag $0x2  }
0x7c: {  	s0 =	rddreg [dreg:$0x0];
	s2 =	stileid.u32  }
0x7d: {  	s1 =	rddreg [dreg:$0x1];
	p0 =	sne.s32 s2, $0x0  }
0x7e: {  	s3 =	rddreg [dreg:$0x2];
	[bflag:$0x3] =	sbarrier.arrive $0xFFFF;
	s2 =	simm.s32 @!p0 $0x1C07  }
0x7f: {  	[timem:s3], [sflag:s2] =	dma.local @!p0 [hbm:s0], s1  }
0x80: {  	s0 =	simm.s32 @!p0 $0x7  }
0x81: {  	_ =	swait.ge @!p0 [sflag:s0], s1  }
0x82: {  	s1 =	ssub.s32 @!p0 $0x0, s1;
	[sflag:s0] =	ssyncset.done @!p0 $0x0  }
0x83: {  	[sflag:s0] =	ssyncadd.s32 @!p0 s1  }
0x84: {  	[bflag:$0x3] =	sbarrier.arrive $0xFFFF  }
0x85: {  	_ =	shalt  }

// kernel: kernel.7.cloned.1.call-start
scs
__scs_entry_jumppad:
0x0: {  	(pc) =	sbr.rel $0x88, $3  }
0x1: {  	(tag) =	ssettag $0x0;
	lr =	simm.s32 $0x1  }
0x2: {  	[smem:$0x3F96] =	sst lr;
	_ =	strace $0xD0000000  }
0x3: {  	_ = 	snop  }
0x4: {  	_ = 	snop  }
0x5: {  	_ = 	snop  }
0x6: {  	_ = 	snop  }
0x7: {  	_ = 	snop  }
__scs_overlays_trampoline_lowered:
0x8: {  	[smem:$0x3FA5] =	sst s0  }
0x9: {  	[smem:$0x3FA6] =	sst s1  }
0xa: {  	[smem:$0x3FA7] =	sst s2  }
0xb: {  	[smem:$0x3FA8] =	sst s3  }
0xc: {  	[smem:$0x3FA9] =	sst s4  }
0xd: {  	[smem:$0x3FAA] =	sst s5  }
0xe: {  	[smem:$0x3FAB] =	sst s6  }
0xf: {  	[smem:$0x3FAC] =	sst s7  }
0x10: {  	[smem:$0x3FAD] =	sst s8  }
0x11: {  	[smem:$0x3FAE] =	sst s9;
	s0 =	simm.s32 @!p0 $0x0  }
0x12: {  	s1 =	sld [smem:$0x3F94];
	s0 =	simm.s32 @p0 $0x1  }
0x13: {  	[smem:$0x3FAF] =	sst s0;
	s0 =	simm.s32 @!p1 $0x0  }
0x14: {  	s2 =	sld [smem:$0x3F93];
	s0 =	simm.s32 @p1 $0x1  }
0x15: {  	[smem:$0x3FB0] =	sst s0;
	s0 =	simm.s32 @!p2 $0x0  }
0x16: {  	s3 =	sld [smem:$0x3FDB];
	s0 =	simm.s32 @p2 $0x1  }
0x17: {  	s4 =	simm.s32 $0x1BF5;
	[smem:$0x3FB2] =	sst s0  }
0x18: {  	s0 =	sld [smem:$0x3F95];
	_ =	swait.ge [sflag:s4], $0x0  }
0x19: {  	s7 =	sld [smem:$0x3F96]  }
0x1a: {  	s8 =	sadd.s32 $0xFFFFE003, lr  }
0x1b: {  	s9 =	sadd.s32 $0xFFFFFEF7, lr;
	s5 =	simm.s32 $0xFFFFFFFF;
	p2 =	slt.u32 s8, $0xFFFFF086  }
0x1c: {  	p1 =	slt.u32 s9, $0xF7A;
	s5 =	simm.s32 @!p2 $0x0  }
0x1d: {  	s5 =	simm.s32 @p1 $0x1;
	p0 =	seq.s32 s7, s2  }
0x1e: {  	s7 =	smul.u32 @!p0 $0xF7A, s2;
	p2 =	seq.s32 @!p0 s5, $0x0  }
0x1f: {  	s9 =	smul.u32 $0xF7A, s1;
	s8 =	simm.s32 @!p0 $0x1BF5;
	p2 =	por !p2, p0  }
0x20: {  	[sflag:s8] =	ssyncset.s32 @!p0 $0xFFFFF086;
	s6 =	sadd.s32 @!p0 s3, s7;
	s7 =	simm.s32 @!p0 $0x108  }
0x21: {  	s3 =	sadd.s32 s3, s9;
	s6 =	sadd.s32 @!p0 $0x88, s6;
	s7 =	simm.s32 @p2 $0x1082  }
0x22: {  	[simem:s7], [sflag:s8] =	dma.local @!p0 [hbm:s6], $0xF7A  }
0x23: {  	s9 =	sor.u32 $0xD0000000, s2;
	s6 =	simm.s32 $0x108;
	_ =	swait.ge @!p0 [sflag:s8], $0x0  }
0x24: {  	s3 =	sadd.s32 $0x88, s3;
	s6 =	simm.s32 @!p1 $0x1082;
	[sflag:s4] =	ssyncset.s32 $0xFFFFF086  }
0x25: {  	[simem:s6], [sflag:s4] =	dma.local [hbm:s3], $0xF7A  }
0x26: {  	[smem:$0x3F96] =	sst s1;
	(tag) =	ssettag s2;
	_ =	strace s9  }
0x27: {  	s1 =	sld [smem:$0x3FA6]  }
0x28: {  	s2 =	sld [smem:$0x3FA7]  }
0x29: {  	s4 =	sld [smem:$0x3FA9]  }
0x2a: {  	p0 =	seq.s32 s5, $0x0;
	s5 =	sld [smem:$0x3FAA]  }
0x2b: {  	s6 =	sld [smem:$0x3FAB]  }
0x2c: {  	s7 =	sld [smem:$0x3FAC]  }
0x2d: {  	s3 =	simm.s32 $0x108;
	s8 =	sld [smem:$0x3FAD]  }
0x2e: {  	s3 =	simm.s32 @!p0 $0x1082;
	s9 =	sld [smem:$0x3FAE]  }
0x2f: {  	lr =	sadd.s32 s0, s3;
	s0 =	sld [smem:$0x3FA5]  }
0x30: {  	s3 =	sld [smem:$0x3FA8]  }
0x31: {  	[smem:$0x3FB1] =	sst s10  }
0x32: {  	s10 =	sld [smem:$0x3FAF];
	_ =	sdelay $0x3  }
0x33: {  	p0 =	seq.s32 s10, $0x1;
	s10 =	sld [smem:$0x3FB1];
	_ =	sdelay $0x3  }
0x34: {  	[smem:$0x3FB1] =	sst s10  }
0x35: {  	s10 =	sld [smem:$0x3FB0];
	_ =	sdelay $0x3  }
0x36: {  	p1 =	seq.s32 s10, $0x1;
	s10 =	sld [smem:$0x3FB1];
	_ =	sdelay $0x3  }
0x37: {  	[smem:$0x3FB1] =	sst s10  }
0x38: {  	s10 =	sld [smem:$0x3FB2]  }
0x39: {  	_ = 	snop;
	(pc) =	sbr.ind lr, $3  }
0x3a: {  	_ = 	snop  }
0x3b: {  	_ = 	snop  }
0x3c: {  	p2 =	seq.s32 s10, $0x1;
	s10 =	sld [smem:$0x3FB1]  }
0x3d: {  	_ =	shalt  }
0x3e: {  	_ =	shalt  }
0x3f: {  	_ =	shalt  }
0x40: {  	_ =	shalt  }
0x41: {  	_ =	shalt  }
0x42: {  	_ =	shalt  }
0x43: {  	_ =	shalt  }
0x44: {  	_ =	shalt  }
0x45: {  	_ =	shalt  }
0x46: {  	_ =	shalt  }
0x47: {  	_ =	shalt  }
0x48: {  	_ =	shalt  }
0x49: {  	_ =	shalt  }
0x4a: {  	_ =	shalt  }
0x4b: {  	_ =	shalt  }
0x4c: {  	_ =	shalt  }
0x4d: {  	_ =	shalt  }
0x4e: {  	_ =	shalt  }
0x4f: {  	_ =	shalt  }
0x50: {  	_ =	shalt  }
0x51: {  	_ =	shalt  }
0x52: {  	_ =	shalt  }
0x53: {  	_ =	shalt  }
0x54: {  	_ =	shalt  }
0x55: {  	_ =	shalt  }
0x56: {  	_ =	shalt  }
0x57: {  	_ =	shalt  }
0x58: {  	_ =	shalt  }
0x59: {  	_ =	shalt  }
0x5a: {  	_ =	shalt  }
0x5b: {  	_ =	shalt  }
0x5c: {  	_ =	shalt  }
0x5d: {  	_ =	shalt  }
0x5e: {  	_ =	shalt  }
0x5f: {  	_ =	shalt  }
0x60: {  	_ =	shalt  }
0x61: {  	_ =	shalt  }
0x62: {  	_ =	shalt  }
0x63: {  	_ =	shalt  }
0x64: {  	_ =	shalt  }
0x65: {  	_ =	shalt  }
0x66: {  	_ =	shalt  }
0x67: {  	_ =	shalt  }
0x68: {  	_ =	shalt  }
0x69: {  	_ =	shalt  }
0x6a: {  	_ =	shalt  }
0x6b: {  	_ =	shalt  }
0x6c: {  	_ =	shalt  }
0x6d: {  	_ =	shalt  }
0x6e: {  	_ =	shalt  }
0x6f: {  	_ =	shalt  }
0x70: {  	_ =	shalt  }
0x71: {  	_ =	shalt  }
0x72: {  	_ =	shalt  }
0x73: {  	_ =	shalt  }
0x74: {  	_ =	shalt  }
0x75: {  	_ =	shalt  }
0x76: {  	_ =	shalt  }
0x77: {  	_ =	shalt  }
0x78: {  	_ =	shalt  }
0x79: {  	_ =	shalt  }
0x7a: {  	_ =	shalt  }
0x7b: {  	_ =	shalt  }
0x7c: {  	_ =	shalt  }
0x7d: {  	_ =	shalt  }
0x7e: {  	_ =	shalt  }
0x7f: {  	_ =	shalt  }
0x80: {  	_ =	shalt  }
0x81: {  	_ =	shalt  }
0x82: {  	_ =	shalt  }
0x83: {  	_ =	shalt  }
0x84: {  	_ =	shalt  }
0x85: {  	_ =	shalt  }
0x86: {  	_ =	shalt  }
0x87: {  	_ =	shalt  }
.Lfunc_end0:
.L_simem_size_0:
called_computation_lowered:
.L_overlay_start_0:
0x88: {  	s2 =	sld [smem:$0x3FD9]  }
0x89: {  	s3 =	sld [smem:$0x3FFE];
	_ =	sdelay $0x1  }
0x8a: {  	s1 =	srdreg.scid  }
0x8b: {  	s0 =	sand.u32 $0x1, s1  }
0x8c: {  	s14 =	sshll.u32 s0, $0xA;
	s2 =	sadd.s32 s3, s2  }
0x8d: {  	s2 =	sadd.s32 s2, s14  }
0x8e: {  	[smem:$0x3FBD] =	sst s2  }
0x8f: {  	_ = 	snop  }
0x90: {  	s2 =	sld [smem:$0x3FD0];
	_ =	sdelay $0x2  }
0x91: {  	s15 =	simm.s32 $0xA;
	s4 =	simm.s32 $0x10  }
0x92: {  	[smem:s4], [sflag:s15] =	dma.local [hbm:s2], $0x1  }
0x93: {  	_ =	swait.eq [sflag:s15], $0x1  }
0x94: {  	s16 =	sld [smem:$0x10];
	[sflag:s15] =	ssyncset.done $0x0  }
0x95: {  	s17 =	sld [smem:$0x11];
	[sflag:s15] =	ssyncadd.s32 $0xFFFFFFFF  }
0x96: {  	s18 =	sld [smem:$0x12];
	(tm) =	ssettm $0x1  }
0x97: {  	s5 =	sld [smem:$0x3FFB];
	_ =	sdelay $0x3  }
0x98: {  	_ =	strace s5  }
0x99: {  	s5 =	sld [smem:$0x3FFC];
	_ =	sdelay $0x3  }
0x9a: {  	_ =	strace s5  }
0x9b: {  	s5 =	sld [smem:$0x3FFD];
	_ =	sdelay $0x3  }
0x9c: {  	_ =	strace s5  }
0x9d: {  	_ =	strace $0x8FFFFFFF  }
0x9e: {  	s19 =	sld [smem:$0x3FDB];
	_ =	sdelay $0x1  }
0x9f: {  	s6 =	simm.s32 $_scs_section_size  }
0xa0: {  	s7 =	simm.s32 $_size__tile_overlayer_lowered;
	s8 =	simm.s32 $_tile_overlayer_lowered  }
0xa1: {  	s22 =	simm.s32 $0x1BFF;
	s21 =	sshll.u32 s8, $0x1;
	s5 =	sadd.s32 s6, s19  }
0xa2: {  	s9 =	simm.s32 $0x0;
	s20 =	sshll.u32 s7, $0x1;
	s7 =	sadd.s32 s21, s5  }
0xa3: {  	[timem:s9], [sflag:s22] =	dma.local [hbm:s7], s20  }
0xa4: {  	_ =	swait.ge [sflag:s22], s20  }
0xa5: {  	s6 =	ssub.s32 $0x0, s20;
	[sflag:s22] =	ssyncset.done $0x0  }
0xa6: {  	[sflag:s22] =	ssyncadd.s32 s6;
	_ =	sdelay $0x1  }
0xa7: {  	s23 =	simm.s32 $0x1B8B  }
0xa8: {  	_ =	swait.ge [sflag:s23], $0x1  }
0xa9: {  	[sflag:s23] =	ssyncset.done $0x0  }
0xaa: {  	s25 =	simm.s32 $0x1B8E;
	s24 =	sld [smem:$0x3FFE];
	[sflag:s23] =	ssyncadd.s32 $0xFFFFFFFF  }
0xab: {  	s26 =	simm.s32 $execute0_lowered;
	[smem:$0x3FD2] =	sst s25  }
0xac: {  	s7 =	sshll.u32 s26, $0x1;
	_ =	strace $0x80000046;
	[dreg:$0x1] =	wrdreg $0xFFFFFFFF  }
0xad: {  	s28 =	simm.s32 $_size_execute0_lowered;
	s5 =	sadd.s32 s5, s7;
	[dreg:$0x0] =	wrdreg $0x0  }
0xae: {  	s7 =	sshll.u32 s28, $0x1;
	[dreg:$0x2] =	wrdreg s5  }
0xaf: {  	[dreg:$0x3] =	wrdreg s7  }
0xb0: {  	[dreg:$0x4] =	wrdreg $0xC0  }
0xb1: {  	_ =	task [dreg:s9], $0x5FFFF  }
0xb2: {  	[dreg:$0x1] =	wrdreg $0xFFFFFFFF  }
0xb3: {  	[dreg:$0x0] =	wrdreg $0x60  }
0xb4: {  	[dreg:$0x2] =	wrdreg s24  }
0xb5: {  	[dreg:$0x3] =	wrdreg s17  }
0xb6: {  	[dreg:$0x4] =	wrdreg s16  }
0xb7: {  	[dreg:$0x5] =	wrdreg s18  }
0xb8: {  	[dreg:$0x6] =	wrdreg $0xA9000  }
0xb9: {  	[dreg:$0x7] =	wrdreg $0x9  }
0xba: {  	_ =	task.clear_ibuf [dreg:s9], $0x8FFFF;
	_ =	strace $0x90000046  }
0xbb: {  	s29 =	simm.s32 $0x9;
	_ =	strace $0x80000048  }
0xbc: {  	_ =	swait.ge [sflag:s29], $0x1  }
0xbd: {  	[sflag:s29] =	ssyncadd.s32 $0xFFFFFFFF  }
0xbe: {  	_ =	strace $0x90000048  }
0xbf: {  	_ =	sfence  }
0xc0: {  	s30 =	sld [smem:$0x0];
	_ =	sdelay $0x2  }
0xc1: {  	s31 =	sshll.u32 s1, $0xD;
	s1 =	sshrl.u32 s1, $0x2  }
0xc2: {  	s3 =	sand.u32 $0x4000, s31;
	s1 =	sadd.s32 s1, s30  }
0xc3: {  	s0 =	sor.u32 s3, s0;
	s1 =	sshll.u32 s1, $0x11  }
0xc4: {  	s0 =	sor.u32 s1, s0  }
0xc5: {  	s0 =	sadd.s32 $0x8F2B, s0  }
0xc6: {  	[sflag:s0] =	ssyncadd.remote.s32 $0x1  }
0xc7: {  	_ =	sfence.sel $0xFFFF  }
0xc8: {  	[dreg:$0x0] =	wrdreg $0xFFFFFFFF;
	(pc) =	sbr.abs _section_cstart, $3  }
0xc9: {  	[dreg:$0x1] =	wrdreg $0xFFFFFFFF  }
0xca: {  	_ =	task.clear_ibuf [dreg:s9], $0x2FFFF;
	_ =	strace $0x9FFFFFFF  }
0xcb: {  	(tm) =	ssettm $0x7FFFFFFF  }
tec
execute0_lowered:
.L_overlay_start_1:
0x0: {  	(tag) =	ssettag $0x1  }
0x1: {  	s8 =	rddreg [dreg:$0x0]  }
0x2: {  	s9 =	rddreg [dreg:$0x1]  }
0x3: {  	s1 =	rddreg [dreg:$0x2]  }
0x4: {  	s3 =	rddreg [dreg:$0x4];
	s4 =	srdreg.scid  }
0x5: {  	s5 =	simm.s32 $0x0;
	s0 =	stileid.u32;
	s16 =	simm.s32 $0x2800  }
0x6: {  	s17 =	simm.s32 $0x80;
	s18 =	simm.s32 $0x2900;
	s19 =	simm.s32 $0x2880  }
0x7: {  	s20 =	simm.s32 $0x6900;
	s21 =	simm.s32 $0x1;
	s22 =	simm.s32 $0x5  }
0x8: {  	s23 =	simm.s32 $0x3;
	s24 =	simm.s32 $0x2;
	s25 =	simm.s32 $0x6  }
0x9: {  	s28 =	simm.s32 $0x0;
	s10 =	sand.u32 $0x1, s4;
	s11 =	smul.u32 $0x13C00, s0  }
0xa: {  	[smem:$0x7FF] =	sst s5;
	s6 =	sshll.u32 s0, $0x1;
	s26 =	smul.u32 $0x4F000, s0  }
0xb: {  	s31 =	sshll.u32 s0, $0x6;
	s7 =	smul.u32 $0x13C000, s10;
	_ =	strace $0x80000047  }
0xc: {  	s12 =	sor.u32 s10, s6;
	s6 =	sadd.s32 $0x2A00, s8;
	s10 =	ssub.s32 $0x2, s10  }
0xd: {  	s29 =	sshrl.u32 s10, $0x1;
	s30 =	sshrl.u32 s26, $0x2;
	s26 =	simm.s32 $0x4  }
0xe: {  	s11 =	sadd.s32 s11, s7;
	s7 =	smul.u32 $0x2800, s12;
	s14 =	ssub.s32 s10, s29  }
0xf: {  	s15 =	sadd.s32 s30, s3;
	s11 =	sshrl.u32 s11, $0x3;
	s12 =	smax.u32 s14, $0x1  }
0x10: {  	s14 =	sor.u32 $0x1C07, s31;
	s15 =	sshrl.u32 s15, $0x3;
	s13 =	sshrl.u32 s7, $0x3  }
0x11: {  	s11 =	sadd.s32 s11, s8;
	s8 =	sadd.s32 s1, s13;
	s9 =	sadd.s32 s9, s13  }
0x12: {  	s11 =	sadd.s32 $0xC6000, s11;
	s13 =	simm.s32 $0x7;
	s10 =	sadd.s32 $0x10, s8  }
.LBB2_1:
0x13: {  	[tilespmem:s5], [sflag:$0x7] =	stream.linear.gather [hbm4b:s9+s5], $0x2800, $0x38;
	[tilespmem:$0x1E500] =	vst v63  }
0x14: {  	_ =	swait.ge [sflag:s13], $0x2800  }
0x15: {  	[sflag:s13] =	ssyncset.done $0x0  }
0x16: {  	[sflag:s13] =	ssyncadd.s32 $0xFFFFD800  }
0x17: {  	s0 =	rddreg [dreg:$0x3]  }
0x18: {  	[spmem:s15], [sflag:s14] =	dma.local [hbm:s0], $0x2780  }
0x19: {  	_ =	swait.ge [sflag:s13], $0x2780  }
0x1a: {  	[sflag:s13] =	ssyncset.done $0x0  }
0x1b: {  	[sflag:s13] =	ssyncadd.s32 $0xFFFFD880  }
0x1c: {  	[bflag:$0x0] =	sbarrier.arrive $0xFFFF  }
0x1d: {  	[tilespmem:s16], [sflag:$0x5] =	stream.linear.gather [hbm4b:s8+s5], $0x80, $0x38;
	[tilespmem:$0x1E500] =	vst v63  }
0x1e: {  	_ = 	snop  }
0x1f: {  	[tilespmem:s18], [sflag:$0x1] =	stream.indirect.gather [hbm4b:s6+s17], $0x80, s5, s17, $0xb8;
	[tilespmem:$0x1E500] =	vst v63  }
0x20: {  	_ = 	snop  }
0x21: {  	[tilespmem:s19], [sflag:$0x6] =	stream.linear.gather [hbm4b:s10+s5], $0x80, $0x38;
	[tilespmem:$0x1E500] =	vst v63  }
0x22: {  	_ = 	snop  }
0x23: {  	[tilespmem:s20], [sflag:$0x2] =	stream.indirect.gather [hbm4b:s6+s17], $0x80, s17, s17, $0xb8;
	[tilespmem:$0x1E500] =	vst v63  }
0x24: {  	_ =	swait.ge [sflag:s21], $0x4000  }
0x25: {  	[sflag:s21] =	ssyncset.done $0x0  }
0x26: {  	[sflag:s21] =	ssyncadd.s32 $0xFFFFC000  }
0x27: {  	s29 =	simm.s32 $0x100;
	_ =	swait.ge [sflag:s22], $0x80  }
0x28: {  	s30 =	sand.u32 $0x7C00, s29;
	[sflag:s22] =	ssyncset.done $0x0  }
0x29: {  	s29 =	sand.u32 $0x300, s29;
	s30 =	sadd.s32 s7, s30;
	[sflag:s22] =	ssyncadd.s32 $0xFFFFFF80  }
0x2a: {  	[spmem:s3] =	stream.indirect.scatter.add.f32 [tilespmem:s18], [sflag:$0x3], $0x80, s16, s17, $0xb8;
	[tilespmem:$0x1E500] =	vst v63  }
0x2b: {  	s29 =	sor.u32 s29, s30;
	_ =	swait.ge [sflag:s23], $0x4000  }
0x2c: {  	s29 =	sshrl.u32 s29, $0x3;
	[sflag:s23] =	ssyncset.done $0x0  }
0x2d: {  	s29 =	sadd.s32 s1, s29;
	[sflag:s23] =	ssyncadd.s32 $0xFFFFC000  }
0x2e: {  	[tilespmem:s16], [sflag:$0x5] =	stream.linear.gather [hbm4b:s29+s5], $0x80, $0x38;
	[tilespmem:$0x1E500] =	vst v63  }
0x2f: {  	s29 =	simm.s32 $0x100  }
0x30: {  	[tilespmem:s18], [sflag:$0x1] =	stream.indirect.gather [hbm4b:s6+s17], $0x80, s29, s17, $0xb8;
	[tilespmem:$0x1E500] =	vst v63  }
0x31: {  	_ =	swait.ge [sflag:s24], $0x4000  }
0x32: {  	[sflag:s24] =	ssyncset.done $0x0  }
0x33: {  	[sflag:s24] =	ssyncadd.s32 $0xFFFFC000  }
0x34: {  	s29 =	simm.s32 $0x180;
	_ =	swait.ge [sflag:s25], $0x80  }
0x35: {  	s30 =	sand.u32 $0x7C00, s29;
	[sflag:s25] =	ssyncset.done $0x0  }
0x36: {  	s29 =	sand.u32 $0x380, s29;
	s30 =	sadd.s32 s7, s30;
	[sflag:s25] =	ssyncadd.s32 $0xFFFFFF80  }
0x37: {  	[spmem:s3] =	stream.indirect.scatter.add.f32 [tilespmem:s20], [sflag:$0x4], $0x80, s19, s17, $0xb8;
	[tilespmem:$0x1E500] =	vst v63  }
0x38: {  	s29 =	sor.u32 s29, s30;
	_ =	swait.ge [sflag:s26], $0x4000  }
0x39: {  	s29 =	sshrl.u32 s29, $0x3;
	[sflag:s26] =	ssyncset.done $0x0  }
0x3a: {  	s29 =	sadd.s32 s1, s29;
	[sflag:s26] =	ssyncadd.s32 $0xFFFFC000  }
0x3b: {  	[tilespmem:s19], [sflag:$0x6] =	stream.linear.gather [hbm4b:s29+s5], $0x80, $0x38;
	[tilespmem:$0x1E500] =	vst v63  }
0x3c: {  	s31 =	simm.s32 $0x200;
	s30 =	simm.s32 $0x180;
	s29 =	simm.s32 $0x280  }
.LBB2_2:
0x3d: {  	s0 =	sadd.s32 $0x80, s31  }
0x3e: {  	p0 =	sne.s32 s29, $0x2780;
	s4 =	smov.u32 s29;
	s29 =	sadd.s32 $0x100, s29  }
0x3f: {  	[tilespmem:s20], [sflag:$0x2] =	stream.indirect.gather [hbm4b:s6+s17], $0x80, s30, s17, $0xb8;
	[tilespmem:$0x1E500] =	vst v63  }
0x40: {  	s30 =	smov.u32 s0;
	_ =	swait.ge [sflag:s21], $0x4000  }
0x41: {  	[sflag:s21] =	ssyncset.done $0x0  }
0x42: {  	[sflag:s21] =	ssyncadd.s32 $0xFFFFC000  }
0x43: {  	_ =	swait.ge [sflag:s22], $0x80  }
0x44: {  	s0 =	sadd.s32 $0xFFFFFF80, s4;
	[sflag:s22] =	ssyncset.done $0x0  }
0x45: {  	s2 =	sand.u32 $0x7C00, s0;
	s0 =	sand.u32 $0x300, s0;
	[sflag:s22] =	ssyncadd.s32 $0xFFFFFF80  }
0x46: {  	[spmem:s3] =	stream.indirect.scatter.add.f32 [tilespmem:s18], [sflag:$0x3], $0x80, s16, s17, $0xb8;
	[tilespmem:$0x1E500] =	vst v63  }
0x47: {  	s2 =	sadd.s32 s7, s2;
	_ =	swait.ge [sflag:s23], $0x4000  }
0x48: {  	s0 =	sor.u32 s0, s2;
	[sflag:s23] =	ssyncset.done $0x0  }
0x49: {  	s0 =	sshrl.u32 s0, $0x3;
	[sflag:s23] =	ssyncadd.s32 $0xFFFFC000  }
0x4a: {  	s0 =	sadd.s32 s1, s0  }
0x4b: {  	[tilespmem:s16], [sflag:$0x5] =	stream.linear.gather [hbm4b:s0+s5], $0x80, $0x38;
	[tilespmem:$0x1E500] =	vst v63  }
0x4c: {  	_ = 	snop  }
0x4d: {  	[tilespmem:s18], [sflag:$0x1] =	stream.indirect.gather [hbm4b:s6+s17], $0x80, s31, s17, $0xb8;
	[tilespmem:$0x1E500] =	vst v63  }
0x4e: {  	_ =	swait.ge [sflag:s24], $0x4000  }
0x4f: {  	[sflag:s24] =	ssyncset.done $0x0  }
0x50: {  	[sflag:s24] =	ssyncadd.s32 $0xFFFFC000  }
0x51: {  	_ =	swait.ge [sflag:s25], $0x80  }
0x52: {  	s0 =	sand.u32 $0x7C00, s4;
	[sflag:s25] =	ssyncset.done $0x0  }
0x53: {  	s2 =	sand.u32 $0x380, s4;
	s0 =	sadd.s32 s7, s0;
	[sflag:s25] =	ssyncadd.s32 $0xFFFFFF80  }
0x54: {  	[spmem:s3] =	stream.indirect.scatter.add.f32 [tilespmem:s20], [sflag:$0x4], $0x80, s19, s17, $0xb8;
	[tilespmem:$0x1E500] =	vst v63  }
.Ltmp0:
0x55: {  	_ = 	snop;
	(pc) =	sbr.rel @p0 .LBB2_2-.Ltmp0, $4  }
0x56: {  	s0 =	sor.u32 s2, s0;
	_ =	swait.ge [sflag:s26], $0x4000  }
0x57: {  	s0 =	sshrl.u32 s0, $0x3;
	[sflag:s26] =	ssyncset.done $0x0  }
0x58: {  	s31 =	sadd.s32 $0x100, s31;
	s0 =	sadd.s32 s1, s0;
	[sflag:s26] =	ssyncadd.s32 $0xFFFFC000  }
0x59: {  	[tilespmem:s19], [sflag:$0x6] =	stream.linear.gather [hbm4b:s0+s5], $0x80, $0x38;
	[tilespmem:$0x1E500] =	vst v63  }
0x5a: {  	[tilespmem:s20], [sflag:$0x2] =	stream.indirect.gather [hbm4b:s6+s17], $0x80, s30, s17, $0xb8;
	[tilespmem:$0x1E500] =	vst v63  }
0x5b: {  	_ =	swait.ge [sflag:s21], $0x4000  }
0x5c: {  	[sflag:s21] =	ssyncset.done $0x0  }
0x5d: {  	[sflag:s21] =	ssyncadd.s32 $0xFFFFC000  }
0x5e: {  	_ =	swait.ge [sflag:s22], $0x80  }
0x5f: {  	[sflag:s22] =	ssyncset.done $0x0  }
0x60: {  	[sflag:s22] =	ssyncadd.s32 $0xFFFFFF80  }
0x61: {  	[spmem:s3] =	stream.indirect.scatter.add.f32 [tilespmem:s18], [sflag:$0x3], $0x80, s16, s17, $0xb8;
	[tilespmem:$0x1E500] =	vst v63  }
0x62: {  	_ =	swait.ge [sflag:s24], $0x4000  }
0x63: {  	[sflag:s24] =	ssyncset.done $0x0  }
0x64: {  	[sflag:s24] =	ssyncadd.s32 $0xFFFFC000  }
0x65: {  	_ =	swait.ge [sflag:s25], $0x80  }
0x66: {  	[sflag:s25] =	ssyncset.done $0x0  }
0x67: {  	[sflag:s25] =	ssyncadd.s32 $0xFFFFFF80  }
0x68: {  	[spmem:s3] =	stream.indirect.scatter.add.f32 [tilespmem:s20], [sflag:$0x4], $0x80, s19, s17, $0xb8;
	[tilespmem:$0x1E500] =	vst v63  }
0x69: {  	_ =	swait.ge [sflag:s23], $0x4000  }
0x6a: {  	[sflag:s23] =	ssyncset.done $0x0  }
0x6b: {  	[sflag:s23] =	ssyncadd.s32 $0xFFFFC000  }
0x6c: {  	_ =	swait.ge [sflag:s26], $0x4000  }
0x6d: {  	s28 =	sadd.s32 $0x1, s28;
	[sflag:s26] =	ssyncset.done $0x0  }
0x6e: {  	p0 =	sne.s32 s28, s12;
	[sflag:s26] =	ssyncadd.s32 $0xFFFFC000  }
.Ltmp1:
0x6f: {  	[bflag:$0x0] =	sbarrier.arrive $0xFFFF;
	(pc) =	sbr.rel @p0 .LBB2_1-.Ltmp1, $4  }
0x70: {  	[hbm:s11], [sflag:s14] =	dma.local [spmem:s15], $0x2780  }
0x71: {  	_ =	swait.ge [sflag:s13], $0x2780  }
0x72: {  	[sflag:s13] =	ssyncset.done $0x0  }
0x73: {  	[sflag:s13] =	ssyncadd.s32 $0xFFFFD880  }
0x74: {  	_ =	sfence.sel $0x180000  }
0x75: {  	[bflag:$0x0] =	sbarrier.arrive $0xFFFF  }
0x76: {  	_ =	strace $0x90000047  }
0x77: {  	s0 =	stileid.u32;
	[bflag:$0x2] =	sbarrier.arrive $0xFFFF  }
0x78: {  	p0 =	sne.s32 s0, $0x0;
	s0 =	rddreg [dreg:$0x5]  }
0x79: {  	s0 =	sadd.s32 @!p0 $0x100000, s0  }
0x7a: {  	[sflag:s0] =	ssyncadd.tile.s32 @!p0 $0x1;
	_ =	shalt  }
.Lfunc_end2:
_tile_overlayer_lowered:
.L_overlay_start_2:
0x7b: {  	(tag) =	ssettag $0x2  }
0x7c: {  	s0 =	rddreg [dreg:$0x0];
	s2 =	stileid.u32  }
0x7d: {  	s1 =	rddreg [dreg:$0x1];
	p0 =	sne.s32 s2, $0x0  }
0x7e: {  	s3 =	rddreg [dreg:$0x2];
	[bflag:$0x3] =	sbarrier.arrive $0xFFFF;
	s2 =	simm.s32 @!p0 $0x1C07  }
0x7f: {  	[timem:s3], [sflag:s2] =	dma.local @!p0 [hbm:s0], s1  }
0x80: {  	s0 =	simm.s32 @!p0 $0x7  }
0x81: {  	_ =	swait.ge @!p0 [sflag:s0], s1  }
0x82: {  	s1 =	ssub.s32 @!p0 $0x0, s1;
	[sflag:s0] =	ssyncset.done @!p0 $0x0  }
0x83: {  	[sflag:s0] =	ssyncadd.s32 @!p0 s1  }
0x84: {  	[bflag:$0x3] =	sbarrier.arrive $0xFFFF  }
0x85: {  	_ =	shalt  }

</sc_bundles>
